<compile_context>
chip_gen: v7x
topology: tpu7x:2x2x1
jax: 0.10.2.dev20260603
libtpu: 0.0.44.dev20260713+nightly
codegen_flags: <defaults>
</compile_context>

<pallas_src>
import functools

import jax
import jax.numpy as jnp
from jax import lax
from jax.experimental import pallas as pl
from jax.experimental.pallas import tpu as pltpu
from jax.experimental.pallas import tpu_sc as plsc

_NC = 2
_NS = 16
_CH = 128
_D = 16
_NPW = 8
_BW = 448

_SC_PARAMS = pltpu.CompilerParams(use_tc_tiling_on_sc=False)


def _sc_aggregate(e_chunks, table_rows, d, k):
    ew = _CH * k
    e_per_tile = e_chunks * _CH // (_NC * _NS)
    groups = e_per_tile // ew
    half_groups = groups // 2
    rows_pt = table_rows // _NS
    mesh = plsc.VectorSubcoreMesh(core_axis_name="c", subcore_axis_name="s")

    @functools.partial(
        pl.kernel,
        mesh=mesh,
        out_type=jax.ShapeDtypeStruct((_NC, table_rows, d), jnp.float32),
        compiler_params=_SC_PARAMS,
        scratch_types=[
            pltpu.VMEM((k * _CH,), jnp.int32),
            pltpu.VMEM((k * _CH,), jnp.int32),
            pltpu.VMEM((k * _CH,), jnp.int32),
            pltpu.VMEM((k * _CH,), jnp.int32),
            pltpu.VMEM((k * _CH, d), jnp.float32),
            pltpu.VMEM((k * _CH, d), jnp.float32),
            pltpu.VMEM_SHARED((table_rows, d), jnp.float32),
            pltpu.SemaphoreType.DMA,
            pltpu.SemaphoreType.DMA,
            pltpu.SemaphoreType.DMA,
        ],
    )
    def kern(feat_hbm, srcc_hbm, dstc_hbm, zeros_hbm, out_hbm,
             src_a, src_b, dst_a, dst_b, rows_a, rows_b, acc,
             sem_a, sem_b, sem_s):
        c = lax.axis_index("c")
        s = lax.axis_index("s")
        r0 = s * rows_pt
        pltpu.sync_copy(zeros_hbm.at[pl.ds(r0, rows_pt), :],
                        acc.at[pl.ds(r0, rows_pt), :])
        plsc.subcore_barrier()
        tile_e0 = (c * _NS + s) * e_per_tile

        def load_and_fire(g, src_v, dst_v, rows_v, sem):
            eb = tile_e0 + g * ew
            pltpu.sync_copy(srcc_hbm.at[pl.ds(eb, ew)], src_v)
            pltpu.sync_copy(dstc_hbm.at[pl.ds(eb, ew)], dst_v)
            pltpu.async_copy(feat_hbm.at[src_v], rows_v, sem)

        def drain_gather(src_v, rows_v, sem):
            pltpu.make_async_copy(feat_hbm.at[src_v], rows_v, sem).wait()

        def scatter(dst_v, rows_v):
            pltpu.async_copy(rows_v, acc.at[dst_v], sem_s, add=True).wait()

        load_and_fire(0, src_a, dst_a, rows_a, sem_a)

        @pl.loop(0, half_groups)
        def _(gg):
            g1 = 2 * gg + 1
            g2 = 2 * gg + 2
            load_and_fire(g1, src_b, dst_b, rows_b, sem_b)
            drain_gather(src_a, rows_a, sem_a)
            scatter(dst_a, rows_a)

            @pl.when(g2 < groups)
            def _():
                load_and_fire(g2, src_a, dst_a, rows_a, sem_a)

            drain_gather(src_b, rows_b, sem_b)
            scatter(dst_b, rows_b)

        plsc.subcore_barrier()
        pltpu.sync_copy(acc.at[pl.ds(r0, rows_pt), :],
                        out_hbm.at[c, pl.ds(r0, rows_pt), :])

    return kern


def _sc_degree(e_chunks, table_rows, d, k):
    ew = _CH * k
    e_per_tile = e_chunks * _CH // (_NC * _NS)
    groups = e_per_tile // ew
    half_groups = groups // 2
    rows_pt = table_rows // _NS
    mesh = plsc.VectorSubcoreMesh(core_axis_name="c", subcore_axis_name="s")

    @functools.partial(
        pl.kernel,
        mesh=mesh,
        out_type=jax.ShapeDtypeStruct((_NC, table_rows, d), jnp.float32),
        compiler_params=_SC_PARAMS,
        scratch_types=[
            pltpu.VMEM((k * _CH,), jnp.int32),
            pltpu.VMEM((k * _CH,), jnp.int32),
            pltpu.VMEM((k * _CH, d), jnp.float32),
            pltpu.VMEM_SHARED((table_rows, d), jnp.float32),
            pltpu.SemaphoreType.DMA,
            pltpu.SemaphoreType.DMA,
        ],
    )
    def kern(ones_hbm, dstc_hbm, zeros_hbm, out_hbm,
             dst_a, dst_b, ones_v, acc, sem_a, sem_b):
        c = lax.axis_index("c")
        s = lax.axis_index("s")
        r0 = s * rows_pt
        pltpu.sync_copy(ones_hbm, ones_v)
        pltpu.sync_copy(zeros_hbm.at[pl.ds(r0, rows_pt), :],
                        acc.at[pl.ds(r0, rows_pt), :])
        plsc.subcore_barrier()
        tile_e0 = (c * _NS + s) * e_per_tile

        pltpu.sync_copy(dstc_hbm.at[pl.ds(tile_e0, ew)], dst_a)

        @pl.loop(0, half_groups)
        def _(gg):
            g1 = 2 * gg + 1
            g2 = 2 * gg + 2
            eb1 = tile_e0 + g1 * ew
            pltpu.sync_copy(dstc_hbm.at[pl.ds(eb1, ew)], dst_b)
            pltpu.async_copy(ones_v, acc.at[dst_a], sem_a, add=True).wait()

            @pl.when(g2 < groups)
            def _():
                eb2 = tile_e0 + g2 * ew
                pltpu.sync_copy(dstc_hbm.at[pl.ds(eb2, ew)], dst_a)

            pltpu.async_copy(ones_v, acc.at[dst_b], sem_b, add=True).wait()

        plsc.subcore_barrier()
        pltpu.sync_copy(acc.at[pl.ds(r0, rows_pt), :],
                        out_hbm.at[c, pl.ds(r0, rows_pt), :])

    return kern


def _scale_kernel(nw_rows):
    def body(dg, xr, o):
        ds = dg[0] + dg[1]
        dfull = ds + jnp.roll(ds, 8, axis=1)
        dinv = lax.rsqrt(dfull + 1.0)
        o[...] = xr[...] * dinv

    bsw = lambda: pl.BlockSpec((_BW, 128), lambda i: (i, 0))
    return pl.pallas_call(
        body,
        grid=(nw_rows // _BW,),
        in_specs=[pl.BlockSpec((2, _BW, 128), lambda i: (0, i, 0)), bsw()],
        out_specs=bsw(),
        out_shape=jax.ShapeDtypeStruct((nw_rows, 128), jnp.float32),
    )


def _dense_kernel(nw_rows, n_real):
    def body(s1, xsr, dg, w1, b1r, w2, o):
        ds = dg[0] + dg[1]
        dfull = ds + jnp.roll(ds, 8, axis=1)
        dinv = lax.rsqrt(dfull + 1.0)
        agg = (s1[0] + s1[1] + xsr[...]) * dinv
        h = jnp.dot(agg, w1[...], preferred_element_type=jnp.float32) + b1r[...]
        h = jnp.maximum(h, 0.0)
        z = jnp.dot(h, w2[...], preferred_element_type=jnp.float32) * dinv
        wr = (lax.broadcasted_iota(jnp.int32, (_BW, 128), 0)
              + pl.program_id(0) * _BW)
        lane = lax.broadcasted_iota(jnp.int32, (_BW, 128), 1)
        nid = wr * _NPW + lane // _D
        o[...] = jnp.where(nid < n_real, z, 0.0)

    bsw = lambda: pl.BlockSpec((_BW, 128), lambda i: (i, 0))
    bs2 = lambda: pl.BlockSpec((2, _BW, 128), lambda i: (0, i, 0))
    return pl.pallas_call(
        body,
        grid=(nw_rows // _BW,),
        in_specs=[bs2(), bsw(), bs2(),
                  pl.BlockSpec((128, 256), lambda i: (0, 0)),
                  pl.BlockSpec((1, 256), lambda i: (0, 0)),
                  pl.BlockSpec((256, 128), lambda i: (0, 0))],
        out_specs=bsw(),
        out_shape=jax.ShapeDtypeStruct((nw_rows, 128), jnp.float32),
    )


def _final_kernel(nw_rows, f_out):
    sel = _NPW * f_out

    def body(s2, zr, dg, b2r, g, o):
        ds = dg[0] + dg[1]
        dfull = ds + jnp.roll(ds, 8, axis=1)
        dinv = lax.rsqrt(dfull + 1.0)
        outw = (s2[0] + s2[1] + zr[...]) * dinv + b2r[...]
        o[...] = jnp.dot(outw, g[...], precision=lax.Precision.HIGHEST,
                         preferred_element_type=jnp.float32)

    bsw = lambda: pl.BlockSpec((_BW, 128), lambda i: (i, 0))
    bs2 = lambda: pl.BlockSpec((2, _BW, 128), lambda i: (0, i, 0))
    return pl.pallas_call(
        body,
        grid=(nw_rows // _BW,),
        in_specs=[bs2(), bsw(), bs2(),
                  pl.BlockSpec((1, 128), lambda i: (0, 0)),
                  pl.BlockSpec((128, sel), lambda i: (0, 0))],
        out_specs=pl.BlockSpec((_BW, sel), lambda i: (i, 0)),
        out_shape=jax.ShapeDtypeStruct((nw_rows, sel), jnp.float32),
    )


def kernel(x, edge_index, W1, b1, W2, b2):
    n = x.shape[0]
    e = edge_index.shape[1]
    f_in = x.shape[1]
    f_mid = W1.shape[1]
    f_out = W2.shape[1]

    group = _NC * _NS * _CH * 8 * 2
    e_pad = ((e + group - 1) // group) * group
    e_chunks = e_pad // _CH
    nodes_per_blk = _BW * _NPW
    np_rows = ((n + 1 + nodes_per_blk - 1) // nodes_per_blk) * nodes_per_blk
    nw_rows = np_rows * _D // 128

    ei = edge_index.astype(jnp.int32)
    pad = jnp.full((e_pad - e,), n, dtype=jnp.int32)
    srcc = jnp.concatenate([ei[0], pad])
    dstc = jnp.concatenate([ei[1], pad])
    src2 = srcc * 2
    dst2 = dstc * 2

    x_p = jnp.zeros((np_rows, _D), jnp.float32).at[:n, :f_in].set(x)
    xw = x_p.reshape(nw_rows, 128)
    zeros_nd = jnp.zeros((np_rows, _D), jnp.float32)
    ones_ch = jnp.ones((8 * _CH, _D // 2), jnp.float32)

    w2p = jnp.zeros((f_mid, _D), jnp.float32).at[:, :f_out].set(W2)
    eye8 = jnp.eye(_NPW, dtype=jnp.float32)
    w1bd = jnp.kron(eye8, W1)
    w2bd = jnp.kron(eye8, w2p)
    b1bd = jnp.tile(b1, _NPW).reshape(1, _NPW * f_mid)
    b2p = jnp.zeros((_D,), jnp.float32).at[:f_out].set(b2)
    b2bd = jnp.tile(b2p, _NPW).reshape(1, 128)

    half = _D // 2
    zeros_half = zeros_nd.reshape(2 * np_rows, half)
    deg = _sc_degree(e_chunks, 2 * np_rows, half, 8)(ones_ch, dst2, zeros_half)
    degw = deg.reshape(_NC, nw_rows, 128)

    xsw = _scale_kernel(nw_rows)(degw, xw)
    s1 = _sc_aggregate(e_chunks, np_rows, _D, 4)(
        xsw.reshape(np_rows, _D), srcc, dstc, zeros_nd)
    s1w = s1.reshape(_NC, nw_rows, 128)
    zw = _dense_kernel(nw_rows, n)(s1w, xsw, degw, w1bd, b1bd, w2bd)
    s2 = _sc_aggregate(e_chunks, 2 * np_rows, half, 8)(
        zw.reshape(2 * np_rows, half), src2, dst2, zeros_half)
    s2w = s2.reshape(_NC, nw_rows, 128)
    gsel = jnp.zeros((128, _NPW * f_out), jnp.float32)
    rows_sel = jnp.arange(_NPW * f_out) // f_out * _D + jnp.arange(_NPW * f_out) % f_out
    gsel = gsel.at[rows_sel, jnp.arange(_NPW * f_out)].set(1.0)
    outn = _final_kernel(nw_rows, f_out)(s2w, zw, degw, b2bd, gsel)
    return outn.reshape(np_rows, f_out)[:n]

# --- scband reference (transcript-rebuilt; emitter-appended) ---
"""Pipeline reference for scband-gcn-81020263072265 (READ-ONLY COPY).

The authoritative reference and input builder live on the scoring server;
editing this copy changes nothing except your own understanding.
"""

import jax, jax.numpy as jnp
import numpy as np

N_NODES = 100000
N_EDGES = 3200000

def gcn_conv(x, edge_index, W, b, num_nodes):
    # GCNConv: add self-loops, symmetric normalization, linear transform, scatter-add aggregate
    src = edge_index[0]
    dst = edge_index[1]
    loop = jnp.arange(num_nodes, dtype=edge_index.dtype)
    src = jnp.concatenate([src, loop], axis=0)
    dst = jnp.concatenate([dst, loop], axis=0)
    ones = jnp.ones(src.shape[0], dtype=x.dtype)
    deg = jax.ops.segment_sum(ones, dst, num_segments=num_nodes)
    deg_inv_sqrt = jnp.where(deg > 0, deg ** -0.5, 0.0)
    norm = deg_inv_sqrt[src] * deg_inv_sqrt[dst]
    xw = x @ W
    msg = xw[src] * norm[:, None]
    out = jax.ops.segment_sum(msg, dst, num_segments=num_nodes)
    return out + b

def setup_inputs(seed: int = 0) -> dict:
    key = jax.random.key(seed)
    k1, k2, k3, k4, k5, k6 = jax.random.split(key, 6)
    x = jax.random.normal(k1, (N_NODES, 16), dtype=jnp.float32)
    edge_index = jax.random.randint(k2, (2, N_EDGES), 0, N_NODES, dtype=jnp.int64)
    # conv1: GCNConv(16, 32); conv2: GCNConv(32, 2)
    W1 = jax.random.normal(k3, (16, 32), dtype=jnp.float32) * (1.0 / np.sqrt(16))
    b1 = jnp.zeros((32,), dtype=jnp.float32)
    W2 = jax.random.normal(k4, (32, 2), dtype=jnp.float32) * (1.0 / np.sqrt(32))
    b2 = jnp.zeros((2,), dtype=jnp.float32)
    return {"x": x, "edge_index": edge_index, "W1": W1, "b1": b1, "W2": W2, "b2": b2}

def reference(x, edge_index, W1, b1, W2, b2):
    num_nodes = x.shape[0]
    h = gcn_conv(x, edge_index, W1, b1, num_nodes)
    h = jax.nn.relu(h)
    out = gcn_conv(h, edge_index, W2, b2, num_nodes)
    return out

if __name__ == "__main__":
    import jax
    _d = setup_inputs()
    print(jax.jit(kernel)(*tuple(_d.values())))

</pallas_src>

<mosaic_0001>
#map = affine_map<(d0, d1) -> (0, 0)>
#map1 = affine_map<(d0, d1) -> (0)>
#map2 = affine_map<(d0, d1) -> (0, 0, 0)>
module attributes {stable_mosaic.version = 14 : i64} {
  func.func @kern(%arg0: i32, %arg1: i32, %arg2: memref<1024x8xf32, #tpu.memory_space<hbm>>, %arg3: memref<3211264xi32, #tpu.memory_space<hbm>>, %arg4: memref<200704x8xf32, #tpu.memory_space<hbm>>, %arg5: memref<2x200704x8xf32, #tpu.memory_space<hbm>>, %arg6: memref<1024xi32, #tpu.memory_space<vmem>>, %arg7: memref<1024xi32, #tpu.memory_space<vmem>>, %arg8: memref<1024x8xf32, #tpu.memory_space<vmem>>, %arg9: memref<200704x8xf32, #tpu.memory_space<vmem_shared>>, %arg10: memref<!tpu.dma_semaphore, #tpu.memory_space<semaphore_mem>>, %arg11: memref<!tpu.dma_semaphore, #tpu.memory_space<semaphore_mem>>) attributes {dimension_semantics = [#tpu.dimension_semantics<core_parallel>, #tpu.dimension_semantics<subcore_parallel>], iteration_bounds = array<i64: 2, 16>, scalar_prefetch = 0 : i64, scratch_operands = 6 : i64, tpu.core_type = #tpu.core_type<sc_vector_subcore>, window_params = [{transform_indices = #map}, {transform_indices = #map1}, {transform_indices = #map}, {transform_indices = #map2}]} {
    %mul3A = arith.constant 12544 : i32
    %mul3A_0 = arith.muli %arg1, %mul3A : i32
    "tpu.region"() ({
      %run_scoped3A = tpu.sem_alloc : memref<!tpu.dma_semaphore, #tpu.memory_space<semaphore_mem>>
      tpu.enqueue_dma source(%arg2 : memref<1024x8xf32, #tpu.memory_space<hbm>>) target(%arg8 : memref<1024x8xf32, #tpu.memory_space<vmem>>) target_semaphore(%run_scoped3A : memref<!tpu.dma_semaphore, #tpu.memory_space<semaphore_mem>>)
      tpu.wait_dma2 semaphore(%run_scoped3A : memref<!tpu.dma_semaphore, #tpu.memory_space<semaphore_mem>>) src(%arg2 : memref<1024x8xf32, #tpu.memory_space<hbm>>) dst(%arg8 : memref<1024x8xf32, #tpu.memory_space<vmem>>)
      tpu.yield
    }) : () -> ()
    "tpu.region"() ({
      %run_scoped3A = tpu.sem_alloc : memref<!tpu.dma_semaphore, #tpu.memory_space<semaphore_mem>>
      %dma_start3A = arith.constant 0 : i32
      %dma_start3A_10 = tpu.memref_slice %arg9[%mul3A_0, %dma_start3A] : memref<200704x8xf32, #tpu.memory_space<vmem_shared>> -> memref<12544x8xf32, #tpu.memory_space<vmem_shared>>
      %dma_start3A_11 = arith.constant 0 : i32
      %dma_start3A_12 = tpu.memref_slice %arg4[%mul3A_0, %dma_start3A_11] : memref<200704x8xf32, #tpu.memory_space<hbm>> -> memref<12544x8xf32, #tpu.memory_space<hbm>>
      tpu.enqueue_dma source(%dma_start3A_12 : memref<12544x8xf32, #tpu.memory_space<hbm>>) target(%dma_start3A_10 : memref<12544x8xf32, #tpu.memory_space<vmem_shared>>) target_semaphore(%run_scoped3A : memref<!tpu.dma_semaphore, #tpu.memory_space<semaphore_mem>>)
      %dma_wait3A = arith.constant 0 : i32
      %dma_wait3A_13 = tpu.memref_slice %arg9[%mul3A_0, %dma_wait3A] : memref<200704x8xf32, #tpu.memory_space<vmem_shared>> -> memref<12544x8xf32, #tpu.memory_space<vmem_shared>>
      %dma_wait3A_14 = arith.constant 0 : i32
      %dma_wait3A_15 = tpu.memref_slice %arg4[%mul3A_0, %dma_wait3A_14] : memref<200704x8xf32, #tpu.memory_space<hbm>> -> memref<12544x8xf32, #tpu.memory_space<hbm>>
      tpu.wait_dma2 semaphore(%run_scoped3A : memref<!tpu.dma_semaphore, #tpu.memory_space<semaphore_mem>>) src(%dma_wait3A_15 : memref<12544x8xf32, #tpu.memory_space<hbm>>) dst(%dma_wait3A_13 : memref<12544x8xf32, #tpu.memory_space<vmem_shared>>)
      tpu.yield
    }) : () -> ()
    %barrier3A = arith.constant 0 : index
    tpu.barrier barrier_id(%barrier3A)
    %mul3A_1 = arith.constant 16 : i32
    %mul3A_2 = arith.muli %arg0, %mul3A_1 : i32
    %add3A = arith.addi %mul3A_2, %arg1 : i32
    %mul3A_3 = arith.constant 100352 : i32
    %mul3A_4 = arith.muli %add3A, %mul3A_3 : i32
    "tpu.region"() ({
      %run_scoped3A = tpu.sem_alloc : memref<!tpu.dma_semaphore, #tpu.memory_space<semaphore_mem>>
      %dma_start3A = tpu.memref_slice %arg3[%mul3A_4] : memref<3211264xi32, #tpu.memory_space<hbm>> -> memref<1024xi32, #tpu.memory_space<hbm>>
      %dma_start3A_10 = tpu.memref_slice %arg3[%mul3A_4] : memref<3211264xi32, #tpu.memory_space<hbm>> -> memref<1024xi32, #tpu.memory_space<hbm>>
      tpu.enqueue_dma source(%dma_start3A_10 : memref<1024xi32, #tpu.memory_space<hbm>>) target(%arg6 : memref<1024xi32, #tpu.memory_space<vmem>>) target_semaphore(%run_scoped3A : memref<!tpu.dma_semaphore, #tpu.memory_space<semaphore_mem>>)
      %dma_wait3A = tpu.memref_slice %arg3[%mul3A_4] : memref<3211264xi32, #tpu.memory_space<hbm>> -> memref<1024xi32, #tpu.memory_space<hbm>>
      %dma_wait3A_11 = tpu.memref_slice %arg3[%mul3A_4] : memref<3211264xi32, #tpu.memory_space<hbm>> -> memref<1024xi32, #tpu.memory_space<hbm>>
      tpu.wait_dma2 semaphore(%run_scoped3A : memref<!tpu.dma_semaphore, #tpu.memory_space<semaphore_mem>>) src(%dma_wait3A_11 : memref<1024xi32, #tpu.memory_space<hbm>>) dst(%arg6 : memref<1024xi32, #tpu.memory_space<vmem>>)
      tpu.yield
    }) : () -> ()
    %scan3A = arith.constant 0 : i32
    %scan3A_5 = arith.constant 49 : i32
    %scan3A_6 = arith.addi %scan3A, %scan3A_5 : i32
    %scan3A_7 = arith.constant 1 : i32
    scf.for %scan3A_10 = %scan3A to %scan3A_6 step %scan3A_7  : i32 {
      %mul3A_11 = arith.constant 1 : i32
      %mul3A_12 = arith.muli %scan3A_10, %mul3A_11 : i32
      %add3A_13 = arith.constant 0 : i32
      %add3A_14 = arith.addi %add3A_13, %mul3A_12 : i32
      %mul3A_15 = arith.constant 2 : i32
      %mul3A_16 = arith.muli %mul3A_15, %add3A_14 : i32
      %add3A_17 = arith.constant 1 : i32
      %add3A_18 = arith.addi %mul3A_16, %add3A_17 : i32
      %mul3A_19 = arith.constant 2 : i32
      %mul3A_20 = arith.muli %mul3A_19, %add3A_14 : i32
      %add3A_21 = arith.constant 2 : i32
      %add3A_22 = arith.addi %mul3A_20, %add3A_21 : i32
      %mul3A_23 = arith.constant 1024 : i32
      %mul3A_24 = arith.muli %add3A_18, %mul3A_23 : i32
      %add3A_25 = arith.addi %mul3A_4, %mul3A_24 : i32
      "tpu.region"() ({
        %run_scoped3A = tpu.sem_alloc : memref<!tpu.dma_semaphore, #tpu.memory_space<semaphore_mem>>
        %dma_start3A_38 = tpu.memref_slice %arg3[%add3A_25] : memref<3211264xi32, #tpu.memory_space<hbm>> -> memref<1024xi32, #tpu.memory_space<hbm>>
        %dma_start3A_39 = tpu.memref_slice %arg3[%add3A_25] : memref<3211264xi32, #tpu.memory_space<hbm>> -> memref<1024xi32, #tpu.memory_space<hbm>>
        tpu.enqueue_dma source(%dma_start3A_39 : memref<1024xi32, #tpu.memory_space<hbm>>) target(%arg7 : memref<1024xi32, #tpu.memory_space<vmem>>) target_semaphore(%run_scoped3A : memref<!tpu.dma_semaphore, #tpu.memory_space<semaphore_mem>>)
        %dma_wait3A_40 = tpu.memref_slice %arg3[%add3A_25] : memref<3211264xi32, #tpu.memory_space<hbm>> -> memref<1024xi32, #tpu.memory_space<hbm>>
        %dma_wait3A_41 = tpu.memref_slice %arg3[%add3A_25] : memref<3211264xi32, #tpu.memory_space<hbm>> -> memref<1024xi32, #tpu.memory_space<hbm>>
        tpu.wait_dma2 semaphore(%run_scoped3A : memref<!tpu.dma_semaphore, #tpu.memory_space<semaphore_mem>>) src(%dma_wait3A_41 : memref<1024xi32, #tpu.memory_space<hbm>>) dst(%arg7 : memref<1024xi32, #tpu.memory_space<vmem>>)
        tpu.yield
      }) : () -> ()
      %dma_start3A = arith.constant 0 : i32
      %dma_start3A_26 = arith.constant 0 : i32
      %dma_start3A_27 = tpu.memref_slice %arg9[%dma_start3A, %dma_start3A_26] : memref<200704x8xf32, #tpu.memory_space<vmem_shared>> -> memref<200704x8xf32, #tpu.memory_space<vmem_shared>>
      tpu.enqueue_indirect_dma source(%arg8 : memref<1024x8xf32, #tpu.memory_space<vmem>>) target(%dma_start3A_27 : memref<200704x8xf32, #tpu.memory_space<vmem_shared>>) offsets(%arg6 : memref<1024xi32, #tpu.memory_space<vmem>>) semaphore(%arg10 : memref<!tpu.dma_semaphore, #tpu.memory_space<semaphore_mem>>) {add = true}
      %dma_wait3A = arith.constant 0 : i32
      %dma_wait3A_28 = arith.constant 0 : i32
      %dma_wait3A_29 = tpu.memref_slice %arg9[%dma_wait3A, %dma_wait3A_28] : memref<200704x8xf32, #tpu.memory_space<vmem_shared>> -> memref<200704x8xf32, #tpu.memory_space<vmem_shared>>
      tpu.wait_indirect_dma semaphore(%arg10 : memref<!tpu.dma_semaphore, #tpu.memory_space<semaphore_mem>>) src(%arg8 : memref<1024x8xf32, #tpu.memory_space<vmem>>) dst(%dma_wait3A_29 : memref<200704x8xf32, #tpu.memory_space<vmem_shared>>)
      %lt3A = arith.constant 98 : i32
      %lt3A_30 = arith.cmpi slt, %add3A_22, %lt3A : i32
      %convert_element_type3A = arith.extui %lt3A_30 : i1 to i32
      %cond3A = arith.constant 0 : i32
      %cond3A_31 = arith.cmpi ne, %convert_element_type3A, %cond3A : i32
      scf.if %cond3A_31 {
        %mul3A_38 = arith.constant 1024 : i32
        %mul3A_39 = arith.muli %add3A_22, %mul3A_38 : i32
        %add3A_40 = arith.addi %mul3A_4, %mul3A_39 : i32
        "tpu.region"() ({
          %run_scoped3A = tpu.sem_alloc : memref<!tpu.dma_semaphore, #tpu.memory_space<semaphore_mem>>
          %dma_start3A_41 = tpu.memref_slice %arg3[%add3A_40] : memref<3211264xi32, #tpu.memory_space<hbm>> -> memref<1024xi32, #tpu.memory_space<hbm>>
          %dma_start3A_42 = tpu.memref_slice %arg3[%add3A_40] : memref<3211264xi32, #tpu.memory_space<hbm>> -> memref<1024xi32, #tpu.memory_space<hbm>>
          tpu.enqueue_dma source(%dma_start3A_42 : memref<1024xi32, #tpu.memory_space<hbm>>) target(%arg6 : memref<1024xi32, #tpu.memory_space<vmem>>) target_semaphore(%run_scoped3A : memref<!tpu.dma_semaphore, #tpu.memory_space<semaphore_mem>>)
          %dma_wait3A_43 = tpu.memref_slice %arg3[%add3A_40] : memref<3211264xi32, #tpu.memory_space<hbm>> -> memref<1024xi32, #tpu.memory_space<hbm>>
          %dma_wait3A_44 = tpu.memref_slice %arg3[%add3A_40] : memref<3211264xi32, #tpu.memory_space<hbm>> -> memref<1024xi32, #tpu.memory_space<hbm>>
          tpu.wait_dma2 semaphore(%run_scoped3A : memref<!tpu.dma_semaphore, #tpu.memory_space<semaphore_mem>>) src(%dma_wait3A_44 : memref<1024xi32, #tpu.memory_space<hbm>>) dst(%arg6 : memref<1024xi32, #tpu.memory_space<vmem>>)
          tpu.yield
        }) : () -> ()
      } else {
      }
      %dma_start3A_32 = arith.constant 0 : i32
      %dma_start3A_33 = arith.constant 0 : i32
      %dma_start3A_34 = tpu.memref_slice %arg9[%dma_start3A_32, %dma_start3A_33] : memref<200704x8xf32, #tpu.memory_space<vmem_shared>> -> memref<200704x8xf32, #tpu.memory_space<vmem_shared>>
      tpu.enqueue_indirect_dma source(%arg8 : memref<1024x8xf32, #tpu.memory_space<vmem>>) target(%dma_start3A_34 : memref<200704x8xf32, #tpu.memory_space<vmem_shared>>) offsets(%arg7 : memref<1024xi32, #tpu.memory_space<vmem>>) semaphore(%arg11 : memref<!tpu.dma_semaphore, #tpu.memory_space<semaphore_mem>>) {add = true}
      %dma_wait3A_35 = arith.constant 0 : i32
      %dma_wait3A_36 = arith.constant 0 : i32
      %dma_wait3A_37 = tpu.memref_slice %arg9[%dma_wait3A_35, %dma_wait3A_36] : memref<200704x8xf32, #tpu.memory_space<vmem_shared>> -> memref<200704x8xf32, #tpu.memory_space<vmem_shared>>
      tpu.wait_indirect_dma semaphore(%arg11 : memref<!tpu.dma_semaphore, #tpu.memory_space<semaphore_mem>>) src(%arg8 : memref<1024x8xf32, #tpu.memory_space<vmem>>) dst(%dma_wait3A_37 : memref<200704x8xf32, #tpu.memory_space<vmem_shared>>)
    }
    %scan3A_8 = arith.constant 49 : i32
    %barrier3A_9 = arith.constant 0 : index
    tpu.barrier barrier_id(%barrier3A_9)
    "tpu.region"() ({
      %run_scoped3A = tpu.sem_alloc : memref<!tpu.dma_semaphore, #tpu.memory_space<semaphore_mem>>
      %dma_start3A = arith.constant 0 : i32
      %dma_start3A_10 = tpu.memref_slice %arg5[%arg0, %mul3A_0, %dma_start3A] : memref<2x200704x8xf32, #tpu.memory_space<hbm>> -> memref<1x12544x8xf32, #tpu.memory_space<hbm>>
      %dma_start3A_11 = tpu.memref_squeeze %dma_start3A_10 : memref<1x12544x8xf32, #tpu.memory_space<hbm>> -> memref<12544x8xf32, #tpu.memory_space<hbm>>
      %dma_start3A_12 = arith.constant 0 : i32
      %dma_start3A_13 = tpu.memref_slice %arg9[%mul3A_0, %dma_start3A_12] : memref<200704x8xf32, #tpu.memory_space<vmem_shared>> -> memref<12544x8xf32, #tpu.memory_space<vmem_shared>>
      tpu.enqueue_dma source(%dma_start3A_13 : memref<12544x8xf32, #tpu.memory_space<vmem_shared>>) target(%dma_start3A_11 : memref<12544x8xf32, #tpu.memory_space<hbm>>) target_semaphore(%run_scoped3A : memref<!tpu.dma_semaphore, #tpu.memory_space<semaphore_mem>>)
      %dma_wait3A = arith.constant 0 : i32
      %dma_wait3A_14 = tpu.memref_slice %arg5[%arg0, %mul3A_0, %dma_wait3A] : memref<2x200704x8xf32, #tpu.memory_space<hbm>> -> memref<1x12544x8xf32, #tpu.memory_space<hbm>>
      %dma_wait3A_15 = tpu.memref_squeeze %dma_wait3A_14 : memref<1x12544x8xf32, #tpu.memory_space<hbm>> -> memref<12544x8xf32, #tpu.memory_space<hbm>>
      %dma_wait3A_16 = arith.constant 0 : i32
      %dma_wait3A_17 = tpu.memref_slice %arg9[%mul3A_0, %dma_wait3A_16] : memref<200704x8xf32, #tpu.memory_space<vmem_shared>> -> memref<12544x8xf32, #tpu.memory_space<vmem_shared>>
      tpu.wait_dma2 semaphore(%run_scoped3A : memref<!tpu.dma_semaphore, #tpu.memory_space<semaphore_mem>>) src(%dma_wait3A_17 : memref<12544x8xf32, #tpu.memory_space<vmem_shared>>) dst(%dma_wait3A_15 : memref<12544x8xf32, #tpu.memory_space<hbm>>)
      tpu.yield
    }) : () -> ()
    return
  }
}

#map = affine_map<(d0, d1) -> (0, 0)>
#map1 = affine_map<(d0, d1) -> (0)>
#map2 = affine_map<(d0, d1) -> (0, 0, 0)>
module attributes {stable_mosaic.version = 14 : i64} {
  func.func @kern(%arg0: i32, %arg1: i32, %arg2: memref<200704x8xf32, #tpu.memory_space<hbm>>, %arg3: memref<3211264xi32, #tpu.memory_space<hbm>>, %arg4: memref<3211264xi32, #tpu.memory_space<hbm>>, %arg5: memref<200704x8xf32, #tpu.memory_space<hbm>>, %arg6: memref<2x200704x8xf32, #tpu.memory_space<hbm>>, %arg7: memref<1024xi32, #tpu.memory_space<vmem>>, %arg8: memref<1024xi32, #tpu.memory_space<vmem>>, %arg9: memref<1024xi32, #tpu.memory_space<vmem>>, %arg10: memref<1024xi32, #tpu.memory_space<vmem>>, %arg11: memref<1024x8xf32, #tpu.memory_space<vmem>>, %arg12: memref<1024x8xf32, #tpu.memory_space<vmem>>, %arg13: memref<200704x8xf32, #tpu.memory_space<vmem_shared>>, %arg14: memref<!tpu.dma_semaphore, #tpu.memory_space<semaphore_mem>>, %arg15: memref<!tpu.dma_semaphore, #tpu.memory_space<semaphore_mem>>, %arg16: memref<!tpu.dma_semaphore, #tpu.memory_space<semaphore_mem>>) attributes {dimension_semantics = [#tpu.dimension_semantics<core_parallel>, #tpu.dimension_semantics<subcore_parallel>], iteration_bounds = array<i64: 2, 16>, scalar_prefetch = 0 : i64, scratch_operands = 10 : i64, tpu.core_type = #tpu.core_type<sc_vector_subcore>, window_params = [{transform_indices = #map}, {transform_indices = #map1}, {transform_indices = #map1}, {transform_indices = #map}, {transform_indices = #map2}]} {
    %mul3A = arith.constant 12544 : i32
    %mul3A_0 = arith.muli %arg1, %mul3A : i32
    "tpu.region"() ({
      %run_scoped3A = tpu.sem_alloc : memref<!tpu.dma_semaphore, #tpu.memory_space<semaphore_mem>>
      %dma_start3A_14 = arith.constant 0 : i32
      %dma_start3A_15 = tpu.memref_slice %arg13[%mul3A_0, %dma_start3A_14] : memref<200704x8xf32, #tpu.memory_space<vmem_shared>> -> memref<12544x8xf32, #tpu.memory_space<vmem_shared>>
      %dma_start3A_16 = arith.constant 0 : i32
      %dma_start3A_17 = tpu.memref_slice %arg5[%mul3A_0, %dma_start3A_16] : memref<200704x8xf32, #tpu.memory_space<hbm>> -> memref<12544x8xf32, #tpu.memory_space<hbm>>
      tpu.enqueue_dma source(%dma_start3A_17 : memref<12544x8xf32, #tpu.memory_space<hbm>>) target(%dma_start3A_15 : memref<12544x8xf32, #tpu.memory_space<vmem_shared>>) target_semaphore(%run_scoped3A : memref<!tpu.dma_semaphore, #tpu.memory_space<semaphore_mem>>)
      %dma_wait3A = arith.constant 0 : i32
      %dma_wait3A_18 = tpu.memref_slice %arg13[%mul3A_0, %dma_wait3A] : memref<200704x8xf32, #tpu.memory_space<vmem_shared>> -> memref<12544x8xf32, #tpu.memory_space<vmem_shared>>
      %dma_wait3A_19 = arith.constant 0 : i32
      %dma_wait3A_20 = tpu.memref_slice %arg5[%mul3A_0, %dma_wait3A_19] : memref<200704x8xf32, #tpu.memory_space<hbm>> -> memref<12544x8xf32, #tpu.memory_space<hbm>>
      tpu.wait_dma2 semaphore(%run_scoped3A : memref<!tpu.dma_semaphore, #tpu.memory_space<semaphore_mem>>) src(%dma_wait3A_20 : memref<12544x8xf32, #tpu.memory_space<hbm>>) dst(%dma_wait3A_18 : memref<12544x8xf32, #tpu.memory_space<vmem_shared>>)
      tpu.yield
    }) : () -> ()
    %barrier3A = arith.constant 0 : index
    tpu.barrier barrier_id(%barrier3A)
    %mul3A_1 = arith.constant 16 : i32
    %mul3A_2 = arith.muli %arg0, %mul3A_1 : i32
    %add3A = arith.addi %mul3A_2, %arg1 : i32
    %mul3A_3 = arith.constant 100352 : i32
    %mul3A_4 = arith.muli %add3A, %mul3A_3 : i32
    %add3A_5 = arith.constant 0 : i32
    %add3A_6 = arith.addi %mul3A_4, %add3A_5 : i32
    "tpu.region"() ({
      %run_scoped3A = tpu.sem_alloc : memref<!tpu.dma_semaphore, #tpu.memory_space<semaphore_mem>>
      %dma_start3A_14 = tpu.memref_slice %arg3[%add3A_6] : memref<3211264xi32, #tpu.memory_space<hbm>> -> memref<1024xi32, #tpu.memory_space<hbm>>
      %dma_start3A_15 = tpu.memref_slice %arg3[%add3A_6] : memref<3211264xi32, #tpu.memory_space<hbm>> -> memref<1024xi32, #tpu.memory_space<hbm>>
      tpu.enqueue_dma source(%dma_start3A_15 : memref<1024xi32, #tpu.memory_space<hbm>>) target(%arg7 : memref<1024xi32, #tpu.memory_space<vmem>>) target_semaphore(%run_scoped3A : memref<!tpu.dma_semaphore, #tpu.memory_space<semaphore_mem>>)
      %dma_wait3A = tpu.memref_slice %arg3[%add3A_6] : memref<3211264xi32, #tpu.memory_space<hbm>> -> memref<1024xi32, #tpu.memory_space<hbm>>
      %dma_wait3A_16 = tpu.memref_slice %arg3[%add3A_6] : memref<3211264xi32, #tpu.memory_space<hbm>> -> memref<1024xi32, #tpu.memory_space<hbm>>
      tpu.wait_dma2 semaphore(%run_scoped3A : memref<!tpu.dma_semaphore, #tpu.memory_space<semaphore_mem>>) src(%dma_wait3A_16 : memref<1024xi32, #tpu.memory_space<hbm>>) dst(%arg7 : memref<1024xi32, #tpu.memory_space<vmem>>)
      tpu.yield
    }) : () -> ()
    "tpu.region"() ({
      %run_scoped3A = tpu.sem_alloc : memref<!tpu.dma_semaphore, #tpu.memory_space<semaphore_mem>>
      %dma_start3A_14 = tpu.memref_slice %arg4[%add3A_6] : memref<3211264xi32, #tpu.memory_space<hbm>> -> memref<1024xi32, #tpu.memory_space<hbm>>
      %dma_start3A_15 = tpu.memref_slice %arg4[%add3A_6] : memref<3211264xi32, #tpu.memory_space<hbm>> -> memref<1024xi32, #tpu.memory_space<hbm>>
      tpu.enqueue_dma source(%dma_start3A_15 : memref<1024xi32, #tpu.memory_space<hbm>>) target(%arg9 : memref<1024xi32, #tpu.memory_space<vmem>>) target_semaphore(%run_scoped3A : memref<!tpu.dma_semaphore, #tpu.memory_space<semaphore_mem>>)
      %dma_wait3A = tpu.memref_slice %arg4[%add3A_6] : memref<3211264xi32, #tpu.memory_space<hbm>> -> memref<1024xi32, #tpu.memory_space<hbm>>
      %dma_wait3A_16 = tpu.memref_slice %arg4[%add3A_6] : memref<3211264xi32, #tpu.memory_space<hbm>> -> memref<1024xi32, #tpu.memory_space<hbm>>
      tpu.wait_dma2 semaphore(%run_scoped3A : memref<!tpu.dma_semaphore, #tpu.memory_space<semaphore_mem>>) src(%dma_wait3A_16 : memref<1024xi32, #tpu.memory_space<hbm>>) dst(%arg9 : memref<1024xi32, #tpu.memory_space<vmem>>)
      tpu.yield
    }) : () -> ()
    %dma_start3A = arith.constant 0 : i32
    %dma_start3A_7 = arith.constant 0 : i32
    %dma_start3A_8 = tpu.memref_slice %arg2[%dma_start3A, %dma_start3A_7] : memref<200704x8xf32, #tpu.memory_space<hbm>> -> memref<200704x8xf32, #tpu.memory_space<hbm>>
    tpu.enqueue_indirect_dma source(%dma_start3A_8 : memref<200704x8xf32, #tpu.memory_space<hbm>>) target(%arg11 : memref<1024x8xf32, #tpu.memory_space<vmem>>) offsets(%arg7 : memref<1024xi32, #tpu.memory_space<vmem>>) semaphore(%arg14 : memref<!tpu.dma_semaphore, #tpu.memory_space<semaphore_mem>>)
    %scan3A = arith.constant 0 : i32
    %scan3A_9 = arith.constant 49 : i32
    %scan3A_10 = arith.addi %scan3A, %scan3A_9 : i32
    %scan3A_11 = arith.constant 1 : i32
    scf.for %scan3A_14 = %scan3A to %scan3A_10 step %scan3A_11  : i32 {
      %mul3A_15 = arith.constant 1 : i32
      %mul3A_16 = arith.muli %scan3A_14, %mul3A_15 : i32
      %add3A_17 = arith.constant 0 : i32
      %add3A_18 = arith.addi %add3A_17, %mul3A_16 : i32
      %mul3A_19 = arith.constant 2 : i32
      %mul3A_20 = arith.muli %mul3A_19, %add3A_18 : i32
      %add3A_21 = arith.constant 1 : i32
      %add3A_22 = arith.addi %mul3A_20, %add3A_21 : i32
      %mul3A_23 = arith.constant 2 : i32
      %mul3A_24 = arith.muli %mul3A_23, %add3A_18 : i32
      %add3A_25 = arith.constant 2 : i32
      %add3A_26 = arith.addi %mul3A_24, %add3A_25 : i32
      %mul3A_27 = arith.constant 1024 : i32
      %mul3A_28 = arith.muli %add3A_22, %mul3A_27 : i32
      %add3A_29 = arith.addi %mul3A_4, %mul3A_28 : i32
      "tpu.region"() ({
        %run_scoped3A = tpu.sem_alloc : memref<!tpu.dma_semaphore, #tpu.memory_space<semaphore_mem>>
        %dma_start3A_52 = tpu.memref_slice %arg3[%add3A_29] : memref<3211264xi32, #tpu.memory_space<hbm>> -> memref<1024xi32, #tpu.memory_space<hbm>>
        %dma_start3A_53 = tpu.memref_slice %arg3[%add3A_29] : memref<3211264xi32, #tpu.memory_space<hbm>> -> memref<1024xi32, #tpu.memory_space<hbm>>
        tpu.enqueue_dma source(%dma_start3A_53 : memref<1024xi32, #tpu.memory_space<hbm>>) target(%arg8 : memref<1024xi32, #tpu.memory_space<vmem>>) target_semaphore(%run_scoped3A : memref<!tpu.dma_semaphore, #tpu.memory_space<semaphore_mem>>)
        %dma_wait3A_54 = tpu.memref_slice %arg3[%add3A_29] : memref<3211264xi32, #tpu.memory_space<hbm>> -> memref<1024xi32, #tpu.memory_space<hbm>>
        %dma_wait3A_55 = tpu.memref_slice %arg3[%add3A_29] : memref<3211264xi32, #tpu.memory_space<hbm>> -> memref<1024xi32, #tpu.memory_space<hbm>>
        tpu.wait_dma2 semaphore(%run_scoped3A : memref<!tpu.dma_semaphore, #tpu.memory_space<semaphore_mem>>) src(%dma_wait3A_55 : memref<1024xi32, #tpu.memory_space<hbm>>) dst(%arg8 : memref<1024xi32, #tpu.memory_space<vmem>>)
        tpu.yield
      }) : () -> ()
      "tpu.region"() ({
        %run_scoped3A = tpu.sem_alloc : memref<!tpu.dma_semaphore, #tpu.memory_space<semaphore_mem>>
        %dma_start3A_52 = tpu.memref_slice %arg4[%add3A_29] : memref<3211264xi32, #tpu.memory_space<hbm>> -> memref<1024xi32, #tpu.memory_space<hbm>>
        %dma_start3A_53 = tpu.memref_slice %arg4[%add3A_29] : memref<3211264xi32, #tpu.memory_space<hbm>> -> memref<1024xi32, #tpu.memory_space<hbm>>
        tpu.enqueue_dma source(%dma_start3A_53 : memref<1024xi32, #tpu.memory_space<hbm>>) target(%arg10 : memref<1024xi32, #tpu.memory_space<vmem>>) target_semaphore(%run_scoped3A : memref<!tpu.dma_semaphore, #tpu.memory_space<semaphore_mem>>)
        %dma_wait3A_54 = tpu.memref_slice %arg4[%add3A_29] : memref<3211264xi32, #tpu.memory_space<hbm>> -> memref<1024xi32, #tpu.memory_space<hbm>>
        %dma_wait3A_55 = tpu.memref_slice %arg4[%add3A_29] : memref<3211264xi32, #tpu.memory_space<hbm>> -> memref<1024xi32, #tpu.memory_space<hbm>>
        tpu.wait_dma2 semaphore(%run_scoped3A : memref<!tpu.dma_semaphore, #tpu.memory_space<semaphore_mem>>) src(%dma_wait3A_55 : memref<1024xi32, #tpu.memory_space<hbm>>) dst(%arg10 : memref<1024xi32, #tpu.memory_space<vmem>>)
        tpu.yield
      }) : () -> ()
      %dma_start3A_30 = arith.constant 0 : i32
      %dma_start3A_31 = arith.constant 0 : i32
      %dma_start3A_32 = tpu.memref_slice %arg2[%dma_start3A_30, %dma_start3A_31] : memref<200704x8xf32, #tpu.memory_space<hbm>> -> memref<200704x8xf32, #tpu.memory_space<hbm>>
      tpu.enqueue_indirect_dma source(%dma_start3A_32 : memref<200704x8xf32, #tpu.memory_space<hbm>>) target(%arg12 : memref<1024x8xf32, #tpu.memory_space<vmem>>) offsets(%arg8 : memref<1024xi32, #tpu.memory_space<vmem>>) semaphore(%arg15 : memref<!tpu.dma_semaphore, #tpu.memory_space<semaphore_mem>>)
      %dma_wait3A = arith.constant 0 : i32
      %dma_wait3A_33 = arith.constant 0 : i32
      %dma_wait3A_34 = tpu.memref_slice %arg2[%dma_wait3A, %dma_wait3A_33] : memref<200704x8xf32, #tpu.memory_space<hbm>> -> memref<200704x8xf32, #tpu.memory_space<hbm>>
      tpu.wait_indirect_dma semaphore(%arg14 : memref<!tpu.dma_semaphore, #tpu.memory_space<semaphore_mem>>) src(%dma_wait3A_34 : memref<200704x8xf32, #tpu.memory_space<hbm>>) dst(%arg11 : memref<1024x8xf32, #tpu.memory_space<vmem>>)
      %dma_start3A_35 = arith.constant 0 : i32
      %dma_start3A_36 = arith.constant 0 : i32
      %dma_start3A_37 = tpu.memref_slice %arg13[%dma_start3A_35, %dma_start3A_36] : memref<200704x8xf32, #tpu.memory_space<vmem_shared>> -> memref<200704x8xf32, #tpu.memory_space<vmem_shared>>
      tpu.enqueue_indirect_dma source(%arg11 : memref<1024x8xf32, #tpu.memory_space<vmem>>) target(%dma_start3A_37 : memref<200704x8xf32, #tpu.memory_space<vmem_shared>>) offsets(%arg9 : memref<1024xi32, #tpu.memory_space<vmem>>) semaphore(%arg16 : memref<!tpu.dma_semaphore, #tpu.memory_space<semaphore_mem>>) {add = true}
      %dma_wait3A_38 = arith.constant 0 : i32
      %dma_wait3A_39 = arith.constant 0 : i32
      %dma_wait3A_40 = tpu.memref_slice %arg13[%dma_wait3A_38, %dma_wait3A_39] : memref<200704x8xf32, #tpu.memory_space<vmem_shared>> -> memref<200704x8xf32, #tpu.memory_space<vmem_shared>>
      tpu.wait_indirect_dma semaphore(%arg16 : memref<!tpu.dma_semaphore, #tpu.memory_space<semaphore_mem>>) src(%arg11 : memref<1024x8xf32, #tpu.memory_space<vmem>>) dst(%dma_wait3A_40 : memref<200704x8xf32, #tpu.memory_space<vmem_shared>>)
      %lt3A = arith.constant 98 : i32
      %lt3A_41 = arith.cmpi slt, %add3A_26, %lt3A : i32
      %convert_element_type3A = arith.extui %lt3A_41 : i1 to i32
      %cond3A = arith.constant 0 : i32
      %cond3A_42 = arith.cmpi ne, %convert_element_type3A, %cond3A : i32
      scf.if %cond3A_42 {
        %mul3A_52 = arith.constant 1024 : i32
        %mul3A_53 = arith.muli %add3A_26, %mul3A_52 : i32
        %add3A_54 = arith.addi %mul3A_4, %mul3A_53 : i32
        "tpu.region"() ({
          %run_scoped3A = tpu.sem_alloc : memref<!tpu.dma_semaphore, #tpu.memory_space<semaphore_mem>>
          %dma_start3A_58 = tpu.memref_slice %arg3[%add3A_54] : memref<3211264xi32, #tpu.memory_space<hbm>> -> memref<1024xi32, #tpu.memory_space<hbm>>
          %dma_start3A_59 = tpu.memref_slice %arg3[%add3A_54] : memref<3211264xi32, #tpu.memory_space<hbm>> -> memref<1024xi32, #tpu.memory_space<hbm>>
          tpu.enqueue_dma source(%dma_start3A_59 : memref<1024xi32, #tpu.memory_space<hbm>>) target(%arg7 : memref<1024xi32, #tpu.memory_space<vmem>>) target_semaphore(%run_scoped3A : memref<!tpu.dma_semaphore, #tpu.memory_space<semaphore_mem>>)
          %dma_wait3A_60 = tpu.memref_slice %arg3[%add3A_54] : memref<3211264xi32, #tpu.memory_space<hbm>> -> memref<1024xi32, #tpu.memory_space<hbm>>
          %dma_wait3A_61 = tpu.memref_slice %arg3[%add3A_54] : memref<3211264xi32, #tpu.memory_space<hbm>> -> memref<1024xi32, #tpu.memory_space<hbm>>
          tpu.wait_dma2 semaphore(%run_scoped3A : memref<!tpu.dma_semaphore, #tpu.memory_space<semaphore_mem>>) src(%dma_wait3A_61 : memref<1024xi32, #tpu.memory_space<hbm>>) dst(%arg7 : memref<1024xi32, #tpu.memory_space<vmem>>)
          tpu.yield
        }) : () -> ()
        "tpu.region"() ({
          %run_scoped3A = tpu.sem_alloc : memref<!tpu.dma_semaphore, #tpu.memory_space<semaphore_mem>>
          %dma_start3A_58 = tpu.memref_slice %arg4[%add3A_54] : memref<3211264xi32, #tpu.memory_space<hbm>> -> memref<1024xi32, #tpu.memory_space<hbm>>
          %dma_start3A_59 = tpu.memref_slice %arg4[%add3A_54] : memref<3211264xi32, #tpu.memory_space<hbm>> -> memref<1024xi32, #tpu.memory_space<hbm>>
          tpu.enqueue_dma source(%dma_start3A_59 : memref<1024xi32, #tpu.memory_space<hbm>>) target(%arg9 : memref<1024xi32, #tpu.memory_space<vmem>>) target_semaphore(%run_scoped3A : memref<!tpu.dma_semaphore, #tpu.memory_space<semaphore_mem>>)
          %dma_wait3A_60 = tpu.memref_slice %arg4[%add3A_54] : memref<3211264xi32, #tpu.memory_space<hbm>> -> memref<1024xi32, #tpu.memory_space<hbm>>
          %dma_wait3A_61 = tpu.memref_slice %arg4[%add3A_54] : memref<3211264xi32, #tpu.memory_space<hbm>> -> memref<1024xi32, #tpu.memory_space<hbm>>
          tpu.wait_dma2 semaphore(%run_scoped3A : memref<!tpu.dma_semaphore, #tpu.memory_space<semaphore_mem>>) src(%dma_wait3A_61 : memref<1024xi32, #tpu.memory_space<hbm>>) dst(%arg9 : memref<1024xi32, #tpu.memory_space<vmem>>)
          tpu.yield
        }) : () -> ()
        %dma_start3A_55 = arith.constant 0 : i32
        %dma_start3A_56 = arith.constant 0 : i32
        %dma_start3A_57 = tpu.memref_slice %arg2[%dma_start3A_55, %dma_start3A_56] : memref<200704x8xf32, #tpu.memory_space<hbm>> -> memref<200704x8xf32, #tpu.memory_space<hbm>>
        tpu.enqueue_indirect_dma source(%dma_start3A_57 : memref<200704x8xf32, #tpu.memory_space<hbm>>) target(%arg11 : memref<1024x8xf32, #tpu.memory_space<vmem>>) offsets(%arg7 : memref<1024xi32, #tpu.memory_space<vmem>>) semaphore(%arg14 : memref<!tpu.dma_semaphore, #tpu.memory_space<semaphore_mem>>)
      } else {
      }
      %dma_wait3A_43 = arith.constant 0 : i32
      %dma_wait3A_44 = arith.constant 0 : i32
      %dma_wait3A_45 = tpu.memref_slice %arg2[%dma_wait3A_43, %dma_wait3A_44] : memref<200704x8xf32, #tpu.memory_space<hbm>> -> memref<200704x8xf32, #tpu.memory_space<hbm>>
      tpu.wait_indirect_dma semaphore(%arg15 : memref<!tpu.dma_semaphore, #tpu.memory_space<semaphore_mem>>) src(%dma_wait3A_45 : memref<200704x8xf32, #tpu.memory_space<hbm>>) dst(%arg12 : memref<1024x8xf32, #tpu.memory_space<vmem>>)
      %dma_start3A_46 = arith.constant 0 : i32
      %dma_start3A_47 = arith.constant 0 : i32
      %dma_start3A_48 = tpu.memref_slice %arg13[%dma_start3A_46, %dma_start3A_47] : memref<200704x8xf32, #tpu.memory_space<vmem_shared>> -> memref<200704x8xf32, #tpu.memory_space<vmem_shared>>
      tpu.enqueue_indirect_dma source(%arg12 : memref<1024x8xf32, #tpu.memory_space<vmem>>) target(%dma_start3A_48 : memref<200704x8xf32, #tpu.memory_space<vmem_shared>>) offsets(%arg10 : memref<1024xi32, #tpu.memory_space<vmem>>) semaphore(%arg16 : memref<!tpu.dma_semaphore, #tpu.memory_space<semaphore_mem>>) {add = true}
      %dma_wait3A_49 = arith.constant 0 : i32
      %dma_wait3A_50 = arith.constant 0 : i32
      %dma_wait3A_51 = tpu.memref_slice %arg13[%dma_wait3A_49, %dma_wait3A_50] : memref<200704x8xf32, #tpu.memory_space<vmem_shared>> -> memref<200704x8xf32, #tpu.memory_space<vmem_shared>>
      tpu.wait_indirect_dma semaphore(%arg16 : memref<!tpu.dma_semaphore, #tpu.memory_space<semaphore_mem>>) src(%arg12 : memref<1024x8xf32, #tpu.memory_space<vmem>>) dst(%dma_wait3A_51 : memref<200704x8xf32, #tpu.memory_space<vmem_shared>>)
    }
    %scan3A_12 = arith.constant 49 : i32
    %barrier3A_13 = arith.constant 0 : index
    tpu.barrier barrier_id(%barrier3A_13)
    "tpu.region"() ({
      %run_scoped3A = tpu.sem_alloc : memref<!tpu.dma_semaphore, #tpu.memory_space<semaphore_mem>>
      %dma_start3A_14 = arith.constant 0 : i32
      %dma_start3A_15 = tpu.memref_slice %arg6[%arg0, %mul3A_0, %dma_start3A_14] : memref<2x200704x8xf32, #tpu.memory_space<hbm>> -> memref<1x12544x8xf32, #tpu.memory_space<hbm>>
      %dma_start3A_16 = tpu.memref_squeeze %dma_start3A_15 : memref<1x12544x8xf32, #tpu.memory_space<hbm>> -> memref<12544x8xf32, #tpu.memory_space<hbm>>
      %dma_start3A_17 = arith.constant 0 : i32
      %dma_start3A_18 = tpu.memref_slice %arg13[%mul3A_0, %dma_start3A_17] : memref<200704x8xf32, #tpu.memory_space<vmem_shared>> -> memref<12544x8xf32, #tpu.memory_space<vmem_shared>>
      tpu.enqueue_dma source(%dma_start3A_18 : memref<12544x8xf32, #tpu.memory_space<vmem_shared>>) target(%dma_start3A_16 : memref<12544x8xf32, #tpu.memory_space<hbm>>) target_semaphore(%run_scoped3A : memref<!tpu.dma_semaphore, #tpu.memory_space<semaphore_mem>>)
      %dma_wait3A = arith.constant 0 : i32
      %dma_wait3A_19 = tpu.memref_slice %arg6[%arg0, %mul3A_0, %dma_wait3A] : memref<2x200704x8xf32, #tpu.memory_space<hbm>> -> memref<1x12544x8xf32, #tpu.memory_space<hbm>>
      %dma_wait3A_20 = tpu.memref_squeeze %dma_wait3A_19 : memref<1x12544x8xf32, #tpu.memory_space<hbm>> -> memref<12544x8xf32, #tpu.memory_space<hbm>>
      %dma_wait3A_21 = arith.constant 0 : i32
      %dma_wait3A_22 = tpu.memref_slice %arg13[%mul3A_0, %dma_wait3A_21] : memref<200704x8xf32, #tpu.memory_space<vmem_shared>> -> memref<12544x8xf32, #tpu.memory_space<vmem_shared>>
      tpu.wait_dma2 semaphore(%run_scoped3A : memref<!tpu.dma_semaphore, #tpu.memory_space<semaphore_mem>>) src(%dma_wait3A_22 : memref<12544x8xf32, #tpu.memory_space<vmem_shared>>) dst(%dma_wait3A_20 : memref<12544x8xf32, #tpu.memory_space<hbm>>)
      tpu.yield
    }) : () -> ()
    return
  }
}

#map = affine_map<(d0, d1) -> (0, 0)>
#map1 = affine_map<(d0, d1) -> (0)>
#map2 = affine_map<(d0, d1) -> (0, 0, 0)>
module attributes {stable_mosaic.version = 14 : i64} {
  func.func @kern(%arg0: i32, %arg1: i32, %arg2: memref<100352x16xf32, #tpu.memory_space<hbm>>, %arg3: memref<3211264xi32, #tpu.memory_space<hbm>>, %arg4: memref<3211264xi32, #tpu.memory_space<hbm>>, %arg5: memref<100352x16xf32, #tpu.memory_space<hbm>>, %arg6: memref<2x100352x16xf32, #tpu.memory_space<hbm>>, %arg7: memref<512xi32, #tpu.memory_space<vmem>>, %arg8: memref<512xi32, #tpu.memory_space<vmem>>, %arg9: memref<512xi32, #tpu.memory_space<vmem>>, %arg10: memref<512xi32, #tpu.memory_space<vmem>>, %arg11: memref<512x16xf32, #tpu.memory_space<vmem>>, %arg12: memref<512x16xf32, #tpu.memory_space<vmem>>, %arg13: memref<100352x16xf32, #tpu.memory_space<vmem_shared>>, %arg14: memref<!tpu.dma_semaphore, #tpu.memory_space<semaphore_mem>>, %arg15: memref<!tpu.dma_semaphore, #tpu.memory_space<semaphore_mem>>, %arg16: memref<!tpu.dma_semaphore, #tpu.memory_space<semaphore_mem>>) attributes {dimension_semantics = [#tpu.dimension_semantics<core_parallel>, #tpu.dimension_semantics<subcore_parallel>], iteration_bounds = array<i64: 2, 16>, scalar_prefetch = 0 : i64, scratch_operands = 10 : i64, tpu.core_type = #tpu.core_type<sc_vector_subcore>, window_params = [{transform_indices = #map}, {transform_indices = #map1}, {transform_indices = #map1}, {transform_indices = #map}, {transform_indices = #map2}]} {
    %mul3A = arith.constant 6272 : i32
    %mul3A_0 = arith.muli %arg1, %mul3A : i32
    "tpu.region"() ({
      %run_scoped3A = tpu.sem_alloc : memref<!tpu.dma_semaphore, #tpu.memory_space<semaphore_mem>>
      %dma_start3A_14 = arith.constant 0 : i32
      %dma_start3A_15 = tpu.memref_slice %arg13[%mul3A_0, %dma_start3A_14] : memref<100352x16xf32, #tpu.memory_space<vmem_shared>> -> memref<6272x16xf32, #tpu.memory_space<vmem_shared>>
      %dma_start3A_16 = arith.constant 0 : i32
      %dma_start3A_17 = tpu.memref_slice %arg5[%mul3A_0, %dma_start3A_16] : memref<100352x16xf32, #tpu.memory_space<hbm>> -> memref<6272x16xf32, #tpu.memory_space<hbm>>
      tpu.enqueue_dma source(%dma_start3A_17 : memref<6272x16xf32, #tpu.memory_space<hbm>>) target(%dma_start3A_15 : memref<6272x16xf32, #tpu.memory_space<vmem_shared>>) target_semaphore(%run_scoped3A : memref<!tpu.dma_semaphore, #tpu.memory_space<semaphore_mem>>)
      %dma_wait3A = arith.constant 0 : i32
      %dma_wait3A_18 = tpu.memref_slice %arg13[%mul3A_0, %dma_wait3A] : memref<100352x16xf32, #tpu.memory_space<vmem_shared>> -> memref<6272x16xf32, #tpu.memory_space<vmem_shared>>
      %dma_wait3A_19 = arith.constant 0 : i32
      %dma_wait3A_20 = tpu.memref_slice %arg5[%mul3A_0, %dma_wait3A_19] : memref<100352x16xf32, #tpu.memory_space<hbm>> -> memref<6272x16xf32, #tpu.memory_space<hbm>>
      tpu.wait_dma2 semaphore(%run_scoped3A : memref<!tpu.dma_semaphore, #tpu.memory_space<semaphore_mem>>) src(%dma_wait3A_20 : memref<6272x16xf32, #tpu.memory_space<hbm>>) dst(%dma_wait3A_18 : memref<6272x16xf32, #tpu.memory_space<vmem_shared>>)
      tpu.yield
    }) : () -> ()
    %barrier3A = arith.constant 0 : index
    tpu.barrier barrier_id(%barrier3A)
    %mul3A_1 = arith.constant 16 : i32
    %mul3A_2 = arith.muli %arg0, %mul3A_1 : i32
    %add3A = arith.addi %mul3A_2, %arg1 : i32
    %mul3A_3 = arith.constant 100352 : i32
    %mul3A_4 = arith.muli %add3A, %mul3A_3 : i32
    %add3A_5 = arith.constant 0 : i32
    %add3A_6 = arith.addi %mul3A_4, %add3A_5 : i32
    "tpu.region"() ({
      %run_scoped3A = tpu.sem_alloc : memref<!tpu.dma_semaphore, #tpu.memory_space<semaphore_mem>>
      %dma_start3A_14 = tpu.memref_slice %arg3[%add3A_6] : memref<3211264xi32, #tpu.memory_space<hbm>> -> memref<512xi32, #tpu.memory_space<hbm>>
      %dma_start3A_15 = tpu.memref_slice %arg3[%add3A_6] : memref<3211264xi32, #tpu.memory_space<hbm>> -> memref<512xi32, #tpu.memory_space<hbm>>
      tpu.enqueue_dma source(%dma_start3A_15 : memref<512xi32, #tpu.memory_space<hbm>>) target(%arg7 : memref<512xi32, #tpu.memory_space<vmem>>) target_semaphore(%run_scoped3A : memref<!tpu.dma_semaphore, #tpu.memory_space<semaphore_mem>>)
      %dma_wait3A = tpu.memref_slice %arg3[%add3A_6] : memref<3211264xi32, #tpu.memory_space<hbm>> -> memref<512xi32, #tpu.memory_space<hbm>>
      %dma_wait3A_16 = tpu.memref_slice %arg3[%add3A_6] : memref<3211264xi32, #tpu.memory_space<hbm>> -> memref<512xi32, #tpu.memory_space<hbm>>
      tpu.wait_dma2 semaphore(%run_scoped3A : memref<!tpu.dma_semaphore, #tpu.memory_space<semaphore_mem>>) src(%dma_wait3A_16 : memref<512xi32, #tpu.memory_space<hbm>>) dst(%arg7 : memref<512xi32, #tpu.memory_space<vmem>>)
      tpu.yield
    }) : () -> ()
    "tpu.region"() ({
      %run_scoped3A = tpu.sem_alloc : memref<!tpu.dma_semaphore, #tpu.memory_space<semaphore_mem>>
      %dma_start3A_14 = tpu.memref_slice %arg4[%add3A_6] : memref<3211264xi32, #tpu.memory_space<hbm>> -> memref<512xi32, #tpu.memory_space<hbm>>
      %dma_start3A_15 = tpu.memref_slice %arg4[%add3A_6] : memref<3211264xi32, #tpu.memory_space<hbm>> -> memref<512xi32, #tpu.memory_space<hbm>>
      tpu.enqueue_dma source(%dma_start3A_15 : memref<512xi32, #tpu.memory_space<hbm>>) target(%arg9 : memref<512xi32, #tpu.memory_space<vmem>>) target_semaphore(%run_scoped3A : memref<!tpu.dma_semaphore, #tpu.memory_space<semaphore_mem>>)
      %dma_wait3A = tpu.memref_slice %arg4[%add3A_6] : memref<3211264xi32, #tpu.memory_space<hbm>> -> memref<512xi32, #tpu.memory_space<hbm>>
      %dma_wait3A_16 = tpu.memref_slice %arg4[%add3A_6] : memref<3211264xi32, #tpu.memory_space<hbm>> -> memref<512xi32, #tpu.memory_space<hbm>>
      tpu.wait_dma2 semaphore(%run_scoped3A : memref<!tpu.dma_semaphore, #tpu.memory_space<semaphore_mem>>) src(%dma_wait3A_16 : memref<512xi32, #tpu.memory_space<hbm>>) dst(%arg9 : memref<512xi32, #tpu.memory_space<vmem>>)
      tpu.yield
    }) : () -> ()
    %dma_start3A = arith.constant 0 : i32
    %dma_start3A_7 = arith.constant 0 : i32
    %dma_start3A_8 = tpu.memref_slice %arg2[%dma_start3A, %dma_start3A_7] : memref<100352x16xf32, #tpu.memory_space<hbm>> -> memref<100352x16xf32, #tpu.memory_space<hbm>>
    tpu.enqueue_indirect_dma source(%dma_start3A_8 : memref<100352x16xf32, #tpu.memory_space<hbm>>) target(%arg11 : memref<512x16xf32, #tpu.memory_space<vmem>>) offsets(%arg7 : memref<512xi32, #tpu.memory_space<vmem>>) semaphore(%arg14 : memref<!tpu.dma_semaphore, #tpu.memory_space<semaphore_mem>>)
    %scan3A = arith.constant 0 : i32
    %scan3A_9 = arith.constant 98 : i32
    %scan3A_10 = arith.addi %scan3A, %scan3A_9 : i32
    %scan3A_11 = arith.constant 1 : i32
    scf.for %scan3A_14 = %scan3A to %scan3A_10 step %scan3A_11  : i32 {
      %mul3A_15 = arith.constant 1 : i32
      %mul3A_16 = arith.muli %scan3A_14, %mul3A_15 : i32
      %add3A_17 = arith.constant 0 : i32
      %add3A_18 = arith.addi %add3A_17, %mul3A_16 : i32
      %mul3A_19 = arith.constant 2 : i32
      %mul3A_20 = arith.muli %mul3A_19, %add3A_18 : i32
      %add3A_21 = arith.constant 1 : i32
      %add3A_22 = arith.addi %mul3A_20, %add3A_21 : i32
      %mul3A_23 = arith.constant 2 : i32
      %mul3A_24 = arith.muli %mul3A_23, %add3A_18 : i32
      %add3A_25 = arith.constant 2 : i32
      %add3A_26 = arith.addi %mul3A_24, %add3A_25 : i32
      %mul3A_27 = arith.constant 512 : i32
      %mul3A_28 = arith.muli %add3A_22, %mul3A_27 : i32
      %add3A_29 = arith.addi %mul3A_4, %mul3A_28 : i32
      "tpu.region"() ({
        %run_scoped3A = tpu.sem_alloc : memref<!tpu.dma_semaphore, #tpu.memory_space<semaphore_mem>>
        %dma_start3A_52 = tpu.memref_slice %arg3[%add3A_29] : memref<3211264xi32, #tpu.memory_space<hbm>> -> memref<512xi32, #tpu.memory_space<hbm>>
        %dma_start3A_53 = tpu.memref_slice %arg3[%add3A_29] : memref<3211264xi32, #tpu.memory_space<hbm>> -> memref<512xi32, #tpu.memory_space<hbm>>
        tpu.enqueue_dma source(%dma_start3A_53 : memref<512xi32, #tpu.memory_space<hbm>>) target(%arg8 : memref<512xi32, #tpu.memory_space<vmem>>) target_semaphore(%run_scoped3A : memref<!tpu.dma_semaphore, #tpu.memory_space<semaphore_mem>>)
        %dma_wait3A_54 = tpu.memref_slice %arg3[%add3A_29] : memref<3211264xi32, #tpu.memory_space<hbm>> -> memref<512xi32, #tpu.memory_space<hbm>>
        %dma_wait3A_55 = tpu.memref_slice %arg3[%add3A_29] : memref<3211264xi32, #tpu.memory_space<hbm>> -> memref<512xi32, #tpu.memory_space<hbm>>
        tpu.wait_dma2 semaphore(%run_scoped3A : memref<!tpu.dma_semaphore, #tpu.memory_space<semaphore_mem>>) src(%dma_wait3A_55 : memref<512xi32, #tpu.memory_space<hbm>>) dst(%arg8 : memref<512xi32, #tpu.memory_space<vmem>>)
        tpu.yield
      }) : () -> ()
      "tpu.region"() ({
        %run_scoped3A = tpu.sem_alloc : memref<!tpu.dma_semaphore, #tpu.memory_space<semaphore_mem>>
        %dma_start3A_52 = tpu.memref_slice %arg4[%add3A_29] : memref<3211264xi32, #tpu.memory_space<hbm>> -> memref<512xi32, #tpu.memory_space<hbm>>
        %dma_start3A_53 = tpu.memref_slice %arg4[%add3A_29] : memref<3211264xi32, #tpu.memory_space<hbm>> -> memref<512xi32, #tpu.memory_space<hbm>>
        tpu.enqueue_dma source(%dma_start3A_53 : memref<512xi32, #tpu.memory_space<hbm>>) target(%arg10 : memref<512xi32, #tpu.memory_space<vmem>>) target_semaphore(%run_scoped3A : memref<!tpu.dma_semaphore, #tpu.memory_space<semaphore_mem>>)
        %dma_wait3A_54 = tpu.memref_slice %arg4[%add3A_29] : memref<3211264xi32, #tpu.memory_space<hbm>> -> memref<512xi32, #tpu.memory_space<hbm>>
        %dma_wait3A_55 = tpu.memref_slice %arg4[%add3A_29] : memref<3211264xi32, #tpu.memory_space<hbm>> -> memref<512xi32, #tpu.memory_space<hbm>>
        tpu.wait_dma2 semaphore(%run_scoped3A : memref<!tpu.dma_semaphore, #tpu.memory_space<semaphore_mem>>) src(%dma_wait3A_55 : memref<512xi32, #tpu.memory_space<hbm>>) dst(%arg10 : memref<512xi32, #tpu.memory_space<vmem>>)
        tpu.yield
      }) : () -> ()
      %dma_start3A_30 = arith.constant 0 : i32
      %dma_start3A_31 = arith.constant 0 : i32
      %dma_start3A_32 = tpu.memref_slice %arg2[%dma_start3A_30, %dma_start3A_31] : memref<100352x16xf32, #tpu.memory_space<hbm>> -> memref<100352x16xf32, #tpu.memory_space<hbm>>
      tpu.enqueue_indirect_dma source(%dma_start3A_32 : memref<100352x16xf32, #tpu.memory_space<hbm>>) target(%arg12 : memref<512x16xf32, #tpu.memory_space<vmem>>) offsets(%arg8 : memref<512xi32, #tpu.memory_space<vmem>>) semaphore(%arg15 : memref<!tpu.dma_semaphore, #tpu.memory_space<semaphore_mem>>)
      %dma_wait3A = arith.constant 0 : i32
      %dma_wait3A_33 = arith.constant 0 : i32
      %dma_wait3A_34 = tpu.memref_slice %arg2[%dma_wait3A, %dma_wait3A_33] : memref<100352x16xf32, #tpu.memory_space<hbm>> -> memref<100352x16xf32, #tpu.memory_space<hbm>>
      tpu.wait_indirect_dma semaphore(%arg14 : memref<!tpu.dma_semaphore, #tpu.memory_space<semaphore_mem>>) src(%dma_wait3A_34 : memref<100352x16xf32, #tpu.memory_space<hbm>>) dst(%arg11 : memref<512x16xf32, #tpu.memory_space<vmem>>)
      %dma_start3A_35 = arith.constant 0 : i32
      %dma_start3A_36 = arith.constant 0 : i32
      %dma_start3A_37 = tpu.memref_slice %arg13[%dma_start3A_35, %dma_start3A_36] : memref<100352x16xf32, #tpu.memory_space<vmem_shared>> -> memref<100352x16xf32, #tpu.memory_space<vmem_shared>>
      tpu.enqueue_indirect_dma source(%arg11 : memref<512x16xf32, #tpu.memory_space<vmem>>) target(%dma_start3A_37 : memref<100352x16xf32, #tpu.memory_space<vmem_shared>>) offsets(%arg9 : memref<512xi32, #tpu.memory_space<vmem>>) semaphore(%arg16 : memref<!tpu.dma_semaphore, #tpu.memory_space<semaphore_mem>>) {add = true}
      %dma_wait3A_38 = arith.constant 0 : i32
      %dma_wait3A_39 = arith.constant 0 : i32
      %dma_wait3A_40 = tpu.memref_slice %arg13[%dma_wait3A_38, %dma_wait3A_39] : memref<100352x16xf32, #tpu.memory_space<vmem_shared>> -> memref<100352x16xf32, #tpu.memory_space<vmem_shared>>
      tpu.wait_indirect_dma semaphore(%arg16 : memref<!tpu.dma_semaphore, #tpu.memory_space<semaphore_mem>>) src(%arg11 : memref<512x16xf32, #tpu.memory_space<vmem>>) dst(%dma_wait3A_40 : memref<100352x16xf32, #tpu.memory_space<vmem_shared>>)
      %lt3A = arith.constant 196 : i32
      %lt3A_41 = arith.cmpi slt, %add3A_26, %lt3A : i32
      %convert_element_type3A = arith.extui %lt3A_41 : i1 to i32
      %cond3A = arith.constant 0 : i32
      %cond3A_42 = arith.cmpi ne, %convert_element_type3A, %cond3A : i32
      scf.if %cond3A_42 {
        %mul3A_52 = arith.constant 512 : i32
        %mul3A_53 = arith.muli %add3A_26, %mul3A_52 : i32
        %add3A_54 = arith.addi %mul3A_4, %mul3A_53 : i32
        "tpu.region"() ({
          %run_scoped3A = tpu.sem_alloc : memref<!tpu.dma_semaphore, #tpu.memory_space<semaphore_mem>>
          %dma_start3A_58 = tpu.memref_slice %arg3[%add3A_54] : memref<3211264xi32, #tpu.memory_space<hbm>> -> memref<512xi32, #tpu.memory_space<hbm>>
          %dma_start3A_59 = tpu.memref_slice %arg3[%add3A_54] : memref<3211264xi32, #tpu.memory_space<hbm>> -> memref<512xi32, #tpu.memory_space<hbm>>
          tpu.enqueue_dma source(%dma_start3A_59 : memref<512xi32, #tpu.memory_space<hbm>>) target(%arg7 : memref<512xi32, #tpu.memory_space<vmem>>) target_semaphore(%run_scoped3A : memref<!tpu.dma_semaphore, #tpu.memory_space<semaphore_mem>>)
          %dma_wait3A_60 = tpu.memref_slice %arg3[%add3A_54] : memref<3211264xi32, #tpu.memory_space<hbm>> -> memref<512xi32, #tpu.memory_space<hbm>>
          %dma_wait3A_61 = tpu.memref_slice %arg3[%add3A_54] : memref<3211264xi32, #tpu.memory_space<hbm>> -> memref<512xi32, #tpu.memory_space<hbm>>
          tpu.wait_dma2 semaphore(%run_scoped3A : memref<!tpu.dma_semaphore, #tpu.memory_space<semaphore_mem>>) src(%dma_wait3A_61 : memref<512xi32, #tpu.memory_space<hbm>>) dst(%arg7 : memref<512xi32, #tpu.memory_space<vmem>>)
          tpu.yield
        }) : () -> ()
        "tpu.region"() ({
          %run_scoped3A = tpu.sem_alloc : memref<!tpu.dma_semaphore, #tpu.memory_space<semaphore_mem>>
          %dma_start3A_58 = tpu.memref_slice %arg4[%add3A_54] : memref<3211264xi32, #tpu.memory_space<hbm>> -> memref<512xi32, #tpu.memory_space<hbm>>
          %dma_start3A_59 = tpu.memref_slice %arg4[%add3A_54] : memref<3211264xi32, #tpu.memory_space<hbm>> -> memref<512xi32, #tpu.memory_space<hbm>>
          tpu.enqueue_dma source(%dma_start3A_59 : memref<512xi32, #tpu.memory_space<hbm>>) target(%arg9 : memref<512xi32, #tpu.memory_space<vmem>>) target_semaphore(%run_scoped3A : memref<!tpu.dma_semaphore, #tpu.memory_space<semaphore_mem>>)
          %dma_wait3A_60 = tpu.memref_slice %arg4[%add3A_54] : memref<3211264xi32, #tpu.memory_space<hbm>> -> memref<512xi32, #tpu.memory_space<hbm>>
          %dma_wait3A_61 = tpu.memref_slice %arg4[%add3A_54] : memref<3211264xi32, #tpu.memory_space<hbm>> -> memref<512xi32, #tpu.memory_space<hbm>>
          tpu.wait_dma2 semaphore(%run_scoped3A : memref<!tpu.dma_semaphore, #tpu.memory_space<semaphore_mem>>) src(%dma_wait3A_61 : memref<512xi32, #tpu.memory_space<hbm>>) dst(%arg9 : memref<512xi32, #tpu.memory_space<vmem>>)
          tpu.yield
        }) : () -> ()
        %dma_start3A_55 = arith.constant 0 : i32
        %dma_start3A_56 = arith.constant 0 : i32
        %dma_start3A_57 = tpu.memref_slice %arg2[%dma_start3A_55, %dma_start3A_56] : memref<100352x16xf32, #tpu.memory_space<hbm>> -> memref<100352x16xf32, #tpu.memory_space<hbm>>
        tpu.enqueue_indirect_dma source(%dma_start3A_57 : memref<100352x16xf32, #tpu.memory_space<hbm>>) target(%arg11 : memref<512x16xf32, #tpu.memory_space<vmem>>) offsets(%arg7 : memref<512xi32, #tpu.memory_space<vmem>>) semaphore(%arg14 : memref<!tpu.dma_semaphore, #tpu.memory_space<semaphore_mem>>)
      } else {
      }
      %dma_wait3A_43 = arith.constant 0 : i32
      %dma_wait3A_44 = arith.constant 0 : i32
      %dma_wait3A_45 = tpu.memref_slice %arg2[%dma_wait3A_43, %dma_wait3A_44] : memref<100352x16xf32, #tpu.memory_space<hbm>> -> memref<100352x16xf32, #tpu.memory_space<hbm>>
      tpu.wait_indirect_dma semaphore(%arg15 : memref<!tpu.dma_semaphore, #tpu.memory_space<semaphore_mem>>) src(%dma_wait3A_45 : memref<100352x16xf32, #tpu.memory_space<hbm>>) dst(%arg12 : memref<512x16xf32, #tpu.memory_space<vmem>>)
      %dma_start3A_46 = arith.constant 0 : i32
      %dma_start3A_47 = arith.constant 0 : i32
      %dma_start3A_48 = tpu.memref_slice %arg13[%dma_start3A_46, %dma_start3A_47] : memref<100352x16xf32, #tpu.memory_space<vmem_shared>> -> memref<100352x16xf32, #tpu.memory_space<vmem_shared>>
      tpu.enqueue_indirect_dma source(%arg12 : memref<512x16xf32, #tpu.memory_space<vmem>>) target(%dma_start3A_48 : memref<100352x16xf32, #tpu.memory_space<vmem_shared>>) offsets(%arg10 : memref<512xi32, #tpu.memory_space<vmem>>) semaphore(%arg16 : memref<!tpu.dma_semaphore, #tpu.memory_space<semaphore_mem>>) {add = true}
      %dma_wait3A_49 = arith.constant 0 : i32
      %dma_wait3A_50 = arith.constant 0 : i32
      %dma_wait3A_51 = tpu.memref_slice %arg13[%dma_wait3A_49, %dma_wait3A_50] : memref<100352x16xf32, #tpu.memory_space<vmem_shared>> -> memref<100352x16xf32, #tpu.memory_space<vmem_shared>>
      tpu.wait_indirect_dma semaphore(%arg16 : memref<!tpu.dma_semaphore, #tpu.memory_space<semaphore_mem>>) src(%arg12 : memref<512x16xf32, #tpu.memory_space<vmem>>) dst(%dma_wait3A_51 : memref<100352x16xf32, #tpu.memory_space<vmem_shared>>)
    }
    %scan3A_12 = arith.constant 98 : i32
    %barrier3A_13 = arith.constant 0 : index
    tpu.barrier barrier_id(%barrier3A_13)
    "tpu.region"() ({
      %run_scoped3A = tpu.sem_alloc : memref<!tpu.dma_semaphore, #tpu.memory_space<semaphore_mem>>
      %dma_start3A_14 = arith.constant 0 : i32
      %dma_start3A_15 = tpu.memref_slice %arg6[%arg0, %mul3A_0, %dma_start3A_14] : memref<2x100352x16xf32, #tpu.memory_space<hbm>> -> memref<1x6272x16xf32, #tpu.memory_space<hbm>>
      %dma_start3A_16 = tpu.memref_squeeze %dma_start3A_15 : memref<1x6272x16xf32, #tpu.memory_space<hbm>> -> memref<6272x16xf32, #tpu.memory_space<hbm>>
      %dma_start3A_17 = arith.constant 0 : i32
      %dma_start3A_18 = tpu.memref_slice %arg13[%mul3A_0, %dma_start3A_17] : memref<100352x16xf32, #tpu.memory_space<vmem_shared>> -> memref<6272x16xf32, #tpu.memory_space<vmem_shared>>
      tpu.enqueue_dma source(%dma_start3A_18 : memref<6272x16xf32, #tpu.memory_space<vmem_shared>>) target(%dma_start3A_16 : memref<6272x16xf32, #tpu.memory_space<hbm>>) target_semaphore(%run_scoped3A : memref<!tpu.dma_semaphore, #tpu.memory_space<semaphore_mem>>)
      %dma_wait3A = arith.constant 0 : i32
      %dma_wait3A_19 = tpu.memref_slice %arg6[%arg0, %mul3A_0, %dma_wait3A] : memref<2x100352x16xf32, #tpu.memory_space<hbm>> -> memref<1x6272x16xf32, #tpu.memory_space<hbm>>
      %dma_wait3A_20 = tpu.memref_squeeze %dma_wait3A_19 : memref<1x6272x16xf32, #tpu.memory_space<hbm>> -> memref<6272x16xf32, #tpu.memory_space<hbm>>
      %dma_wait3A_21 = arith.constant 0 : i32
      %dma_wait3A_22 = tpu.memref_slice %arg13[%mul3A_0, %dma_wait3A_21] : memref<100352x16xf32, #tpu.memory_space<vmem_shared>> -> memref<6272x16xf32, #tpu.memory_space<vmem_shared>>
      tpu.wait_dma2 semaphore(%run_scoped3A : memref<!tpu.dma_semaphore, #tpu.memory_space<semaphore_mem>>) src(%dma_wait3A_22 : memref<6272x16xf32, #tpu.memory_space<vmem_shared>>) dst(%dma_wait3A_20 : memref<6272x16xf32, #tpu.memory_space<hbm>>)
      tpu.yield
    }) : () -> ()
    return
  }
}

module attributes {stable_mosaic.version = 14 : i64} {
  func.func @body(%arg0: i32, %arg1: memref<2x448x128xf32, #tpu.memory_space<vmem>>, %arg2: memref<448x128xf32, #tpu.memory_space<vmem>>, %arg3: memref<448x128xf32, #tpu.memory_space<vmem>>) attributes {dimension_semantics = [#tpu.dimension_semantics<arbitrary>], iteration_bounds = array<i64: 28>, scalar_prefetch = 0 : i64, scratch_operands = 0 : i64, tpu.core_type = #tpu.core_type<tc>, window_params = [{transform_indices = @transform_0, window_bounds = array<i64: 2, 448, 128>}, {transform_indices = @transform_1, window_bounds = array<i64: 448, 128>}, {transform_indices = @transform_2, window_bounds = array<i64: 448, 128>}]} {
    %get3A = arith.constant 0 : index
    %get3A_0 = arith.constant 0 : index
    %get3A_1 = arith.constant 0 : index
    %get3A_2 = vector.load %arg1[%get3A, %get3A_0, %get3A_1] : memref<2x448x128xf32, #tpu.memory_space<vmem>>, vector<1x448x128xf32>
    %get3A_3 = vector.shape_cast %get3A_2 : vector<1x448x128xf32> to vector<448x128xf32>
    %get3A_4 = arith.constant 1 : index
    %get3A_5 = arith.constant 0 : index
    %get3A_6 = arith.constant 0 : index
    %get3A_7 = vector.load %arg1[%get3A_4, %get3A_5, %get3A_6] : memref<2x448x128xf32, #tpu.memory_space<vmem>>, vector<1x448x128xf32>
    %get3A_8 = vector.shape_cast %get3A_7 : vector<1x448x128xf32> to vector<448x128xf32>
    %add3A = arith.addf %get3A_3, %get3A_8 : vector<448x128xf32>
    %slice3A = vector.extract_strided_slice %add3A {offsets = [0, 120], sizes = [448, 8], strides = [1, 1]} : vector<448x128xf32> to vector<448x8xf32>
    %slice3A_9 = vector.extract_strided_slice %add3A {offsets = [0, 0], sizes = [448, 120], strides = [1, 1]} : vector<448x128xf32> to vector<448x120xf32>
    %concatenate3A = tpu.concatenate %slice3A, %slice3A_9 in 1 : vector<448x8xf32>, vector<448x120xf32> -> vector<448x128xf32>
    %add3A_10 = arith.addf %add3A, %concatenate3A : vector<448x128xf32>
    %add3A_11 = arith.constant 1.000000e+00 : f32
    %add3A_12 = vector.broadcast %add3A_11 : f32 to vector<448x128xf32>
    %add3A_13 = arith.addf %add3A_10, %add3A_12 : vector<448x128xf32>
    %rsqrt3A = math.rsqrt %add3A_13 : vector<448x128xf32>
    %get3A_14 = arith.constant 0 : index
    %get3A_15 = arith.constant 0 : index
    %get3A_16 = vector.load %arg2[%get3A_14, %get3A_15] : memref<448x128xf32, #tpu.memory_space<vmem>>, vector<448x128xf32>
    %mul3A = arith.mulf %get3A_16, %rsqrt3A : vector<448x128xf32>
    %swap3A = arith.constant 0 : index
    %swap3A_17 = arith.constant 0 : index
    %swap3A_18 = vector.load %arg3[%swap3A, %swap3A_17] : memref<448x128xf32, #tpu.memory_space<vmem>>, vector<448x128xf32>
    tpu.vector_store %arg3[%swap3A, %swap3A_17], %mul3A {strides = array<i32>} : memref<448x128xf32, #tpu.memory_space<vmem>>, vector<448x128xf32>,
    return
  }
  func.func @transform_0(%arg0: i32) -> (i32, i32, i32) {
    %c0_i32 = arith.constant 0 : i32
    %c0_i32_0 = arith.constant 0 : i32
    %c0_i32_1 = arith.constant 0 : i32
    return %c0_i32, %arg0, %c0_i32_0 : i32, i32, i32
  }
  func.func @transform_1(%arg0: i32) -> (i32, i32) {
    %c0_i32 = arith.constant 0 : i32
    %c0_i32_0 = arith.constant 0 : i32
    return %arg0, %c0_i32 : i32, i32
  }
  func.func @transform_2(%arg0: i32) -> (i32, i32) {
    %c0_i32 = arith.constant 0 : i32
    %c0_i32_0 = arith.constant 0 : i32
    return %arg0, %c0_i32 : i32, i32
  }
}

module attributes {stable_mosaic.version = 14 : i64} {
  func.func @body(%arg0: i32, %arg1: memref<2x448x128xf32, #tpu.memory_space<vmem>>, %arg2: memref<448x128xf32, #tpu.memory_space<vmem>>, %arg3: memref<2x448x128xf32, #tpu.memory_space<vmem>>, %arg4: memref<128x256xf32, #tpu.memory_space<vmem>>, %arg5: memref<1x256xf32, #tpu.memory_space<vmem>>, %arg6: memref<256x128xf32, #tpu.memory_space<vmem>>, %arg7: memref<448x128xf32, #tpu.memory_space<vmem>>) attributes {dimension_semantics = [#tpu.dimension_semantics<arbitrary>], iteration_bounds = array<i64: 28>, scalar_prefetch = 0 : i64, scratch_operands = 0 : i64, tpu.core_type = #tpu.core_type<tc>, window_params = [{transform_indices = @transform_0, window_bounds = array<i64: 2, 448, 128>}, {transform_indices = @transform_1, window_bounds = array<i64: 448, 128>}, {transform_indices = @transform_2, window_bounds = array<i64: 2, 448, 128>}, {pipeline_mode = #tpu.pipeline_mode<synchronous>, transform_indices = @transform_3, window_bounds = array<i64: 128, 256>}, {pipeline_mode = #tpu.pipeline_mode<synchronous>, transform_indices = @transform_4, window_bounds = array<i64: 1, 256>}, {pipeline_mode = #tpu.pipeline_mode<synchronous>, transform_indices = @transform_5, window_bounds = array<i64: 256, 128>}, {transform_indices = @transform_6, window_bounds = array<i64: 448, 128>}]} {
    %get3A = arith.constant 0 : index
    %get3A_0 = arith.constant 0 : index
    %get3A_1 = arith.constant 0 : index
    %get3A_2 = vector.load %arg3[%get3A, %get3A_0, %get3A_1] : memref<2x448x128xf32, #tpu.memory_space<vmem>>, vector<1x448x128xf32>
    %get3A_3 = vector.shape_cast %get3A_2 : vector<1x448x128xf32> to vector<448x128xf32>
    %get3A_4 = arith.constant 1 : index
    %get3A_5 = arith.constant 0 : index
    %get3A_6 = arith.constant 0 : index
    %get3A_7 = vector.load %arg3[%get3A_4, %get3A_5, %get3A_6] : memref<2x448x128xf32, #tpu.memory_space<vmem>>, vector<1x448x128xf32>
    %get3A_8 = vector.shape_cast %get3A_7 : vector<1x448x128xf32> to vector<448x128xf32>
    %add3A = arith.addf %get3A_3, %get3A_8 : vector<448x128xf32>
    %slice3A = vector.extract_strided_slice %add3A {offsets = [0, 120], sizes = [448, 8], strides = [1, 1]} : vector<448x128xf32> to vector<448x8xf32>
    %slice3A_9 = vector.extract_strided_slice %add3A {offsets = [0, 0], sizes = [448, 120], strides = [1, 1]} : vector<448x128xf32> to vector<448x120xf32>
    %concatenate3A = tpu.concatenate %slice3A, %slice3A_9 in 1 : vector<448x8xf32>, vector<448x120xf32> -> vector<448x128xf32>
    %add3A_10 = arith.addf %add3A, %concatenate3A : vector<448x128xf32>
    %add3A_11 = arith.constant 1.000000e+00 : f32
    %add3A_12 = vector.broadcast %add3A_11 : f32 to vector<448x128xf32>
    %add3A_13 = arith.addf %add3A_10, %add3A_12 : vector<448x128xf32>
    %rsqrt3A = math.rsqrt %add3A_13 : vector<448x128xf32>
    %get3A_14 = arith.constant 0 : index
    %get3A_15 = arith.constant 0 : index
    %get3A_16 = arith.constant 0 : index
    %get3A_17 = vector.load %arg1[%get3A_14, %get3A_15, %get3A_16] : memref<2x448x128xf32, #tpu.memory_space<vmem>>, vector<1x448x128xf32>
    %get3A_18 = vector.shape_cast %get3A_17 : vector<1x448x128xf32> to vector<448x128xf32>
    %get3A_19 = arith.constant 1 : index
    %get3A_20 = arith.constant 0 : index
    %get3A_21 = arith.constant 0 : index
    %get3A_22 = vector.load %arg1[%get3A_19, %get3A_20, %get3A_21] : memref<2x448x128xf32, #tpu.memory_space<vmem>>, vector<1x448x128xf32>
    %get3A_23 = vector.shape_cast %get3A_22 : vector<1x448x128xf32> to vector<448x128xf32>
    %add3A_24 = arith.addf %get3A_18, %get3A_23 : vector<448x128xf32>
    %get3A_25 = arith.constant 0 : index
    %get3A_26 = arith.constant 0 : index
    %get3A_27 = vector.load %arg2[%get3A_25, %get3A_26] : memref<448x128xf32, #tpu.memory_space<vmem>>, vector<448x128xf32>
    %add3A_28 = arith.addf %add3A_24, %get3A_27 : vector<448x128xf32>
    %mul3A = arith.mulf %add3A_28, %rsqrt3A : vector<448x128xf32>
    %get3A_29 = arith.constant 0 : index
    %get3A_30 = arith.constant 0 : index
    %get3A_31 = vector.load %arg4[%get3A_29, %get3A_30] : memref<128x256xf32, #tpu.memory_space<vmem>>, vector<128x256xf32>
    %dot_general3A = arith.constant dense<0.000000e+00> : vector<448x256xf32>
    %dot_general3A_32 = tpu.matmul %mul3A, %get3A_31, %dot_general3A {dimension_numbers = #tpu.dot_dimension_numbers<[1], [0], [0], [1], [0, 0, 1, 1], [], []>, transpose_lhs_hint = false} : vector<448x128xf32>, vector<128x256xf32>, vector<448x256xf32> -> vector<448x256xf32>
    %get3A_33 = arith.constant 0 : index
    %get3A_34 = arith.constant 0 : index
    %get3A_35 = vector.load %arg5[%get3A_33, %get3A_34] : memref<1x256xf32, #tpu.memory_space<vmem>>, vector<1x256xf32>
    %add3A_36 = vector.broadcast %get3A_35 : vector<1x256xf32> to vector<448x256xf32>
    %add3A_37 = arith.addf %dot_general3A_32, %add3A_36 : vector<448x256xf32>
    %max3A = arith.constant 0.000000e+00 : f32
    %max3A_38 = vector.broadcast %max3A : f32 to vector<448x256xf32>
    %max3A_39 = arith.maximumf %add3A_37, %max3A_38 : vector<448x256xf32>
    %get3A_40 = arith.constant 0 : index
    %get3A_41 = arith.constant 0 : index
    %get3A_42 = vector.load %arg6[%get3A_40, %get3A_41] : memref<256x128xf32, #tpu.memory_space<vmem>>, vector<256x128xf32>
    %dot_general3A_43 = arith.constant dense<0.000000e+00> : vector<448x128xf32>
    %dot_general3A_44 = tpu.matmul %max3A_39, %get3A_42, %dot_general3A_43 {dimension_numbers = #tpu.dot_dimension_numbers<[1], [0], [0], [1], [0, 0, 1, 1], [], []>, transpose_lhs_hint = false} : vector<448x256xf32>, vector<256x128xf32>, vector<448x128xf32> -> vector<448x128xf32>
    %mul3A_45 = arith.mulf %dot_general3A_44, %rsqrt3A : vector<448x128xf32>
    %iota3A = tpu.iota {dimensions = array<i32: 0>} : vector<448x128xi32>
    %mul3A_46 = arith.constant 448 : i32
    %mul3A_47 = arith.muli %arg0, %mul3A_46 : i32
    %add3A_48 = vector.broadcast %mul3A_47 : i32 to vector<448x128xi32>
    %add3A_49 = arith.addi %iota3A, %add3A_48 : vector<448x128xi32>
    %iota3A_50 = tpu.iota {dimensions = array<i32: 1>} : vector<448x128xi32>
    %mul3A_51 = arith.constant 8 : i32
    %mul3A_52 = vector.broadcast %mul3A_51 : i32 to vector<448x128xi32>
    %mul3A_53 = arith.muli %add3A_49, %mul3A_52 : vector<448x128xi32>
    %jit3A = arith.constant 16 : i32
    %div3A = vector.broadcast %jit3A : i32 to vector<448x128xi32>
    %div3A_54 = arith.divsi %iota3A_50, %div3A : vector<448x128xi32>
    %sign3A = arith.constant 0 : i32
    %sign3A_55 = vector.broadcast %sign3A : i32 to vector<448x128xi32>
    %sign3A_56 = arith.cmpi sgt, %iota3A_50, %sign3A_55 : vector<448x128xi32>
    %sign3A_57 = arith.extui %sign3A_56 : vector<448x128xi1> to vector<448x128xi32>
    %sign3A_58 = arith.constant 0 : i32
    %sign3A_59 = vector.broadcast %sign3A_58 : i32 to vector<448x128xi32>
    %sign3A_60 = arith.cmpi slt, %iota3A_50, %sign3A_59 : vector<448x128xi32>
    %sign3A_61 = arith.extui %sign3A_60 : vector<448x128xi1> to vector<448x128xi32>
    %sign3A_62 = arith.subi %sign3A_57, %sign3A_61 : vector<448x128xi32>
    %sign3A_63 = arith.constant 0 : i32
    %sign3A_64 = arith.cmpi sgt, %jit3A, %sign3A_63 : i32
    %sign3A_65 = arith.extui %sign3A_64 : i1 to i32
    %sign3A_66 = arith.constant 0 : i32
    %sign3A_67 = arith.cmpi slt, %jit3A, %sign3A_66 : i32
    %sign3A_68 = arith.extui %sign3A_67 : i1 to i32
    %sign3A_69 = arith.subi %sign3A_65, %sign3A_68 : i32
    %ne3A = vector.broadcast %sign3A_69 : i32 to vector<448x128xi32>
    %ne3A_70 = arith.cmpi ne, %sign3A_62, %ne3A : vector<448x128xi32>
    %rem3A = vector.broadcast %jit3A : i32 to vector<448x128xi32>
    %rem3A_71 = arith.remsi %iota3A_50, %rem3A : vector<448x128xi32>
    %ne3A_72 = arith.constant 0 : i32
    %ne3A_73 = vector.broadcast %ne3A_72 : i32 to vector<448x128xi32>
    %ne3A_74 = arith.cmpi ne, %rem3A_71, %ne3A_73 : vector<448x128xi32>
    %and3A = arith.andi %ne3A_70, %ne3A_74 : vector<448x128xi1>
    %sub3A = arith.constant 1 : i32
    %sub3A_75 = vector.broadcast %sub3A : i32 to vector<448x128xi32>
    %sub3A_76 = arith.subi %div3A_54, %sub3A_75 : vector<448x128xi32>
    %select_n3A = arith.select %and3A, %sub3A_76, %div3A_54 : vector<448x128xi1>, vector<448x128xi32>
    %add3A_77 = arith.addi %mul3A_53, %select_n3A : vector<448x128xi32>
    %lt3A = arith.constant 100000 : i32
    %lt3A_78 = vector.broadcast %lt3A : i32 to vector<448x128xi32>
    %lt3A_79 = arith.cmpi slt, %add3A_77, %lt3A_78 : vector<448x128xi32>
    %jit3A_80 = arith.constant 0.000000e+00 : f32
    %broadcast_in_dim3A = vector.broadcast %jit3A_80 : f32 to vector<448x128xf32>
    %select_n3A_81 = arith.select %lt3A_79, %mul3A_45, %broadcast_in_dim3A : vector<448x128xi1>, vector<448x128xf32>
    %swap3A = arith.constant 0 : index
    %swap3A_82 = arith.constant 0 : index
    %swap3A_83 = vector.load %arg7[%swap3A, %swap3A_82] : memref<448x128xf32, #tpu.memory_space<vmem>>, vector<448x128xf32>
    tpu.vector_store %arg7[%swap3A, %swap3A_82], %select_n3A_81 {strides = array<i32>} : memref<448x128xf32, #tpu.memory_space<vmem>>, vector<448x128xf32>,
    return
  }
  func.func @transform_0(%arg0: i32) -> (i32, i32, i32) {
    %c0_i32 = arith.constant 0 : i32
    %c0_i32_0 = arith.constant 0 : i32
    %c0_i32_1 = arith.constant 0 : i32
    return %c0_i32, %arg0, %c0_i32_0 : i32, i32, i32
  }
  func.func @transform_1(%arg0: i32) -> (i32, i32) {
    %c0_i32 = arith.constant 0 : i32
    %c0_i32_0 = arith.constant 0 : i32
    return %arg0, %c0_i32 : i32, i32
  }
  func.func @transform_2(%arg0: i32) -> (i32, i32, i32) {
    %c0_i32 = arith.constant 0 : i32
    %c0_i32_0 = arith.constant 0 : i32
    %c0_i32_1 = arith.constant 0 : i32
    return %c0_i32, %arg0, %c0_i32_0 : i32, i32, i32
  }
  func.func @transform_3(%arg0: i32) -> (i32, i32) {
    %c0_i32 = arith.constant 0 : i32
    %c0_i32_0 = arith.constant 0 : i32
    %c0_i32_1 = arith.constant 0 : i32
    return %c0_i32, %c0_i32_0 : i32, i32
  }
  func.func @transform_4(%arg0: i32) -> (i32, i32) {
    %c0_i32 = arith.constant 0 : i32
    %c0_i32_0 = arith.constant 0 : i32
    %c0_i32_1 = arith.constant 0 : i32
    return %c0_i32, %c0_i32_0 : i32, i32
  }
  func.func @transform_5(%arg0: i32) -> (i32, i32) {
    %c0_i32 = arith.constant 0 : i32
    %c0_i32_0 = arith.constant 0 : i32
    %c0_i32_1 = arith.constant 0 : i32
    return %c0_i32, %c0_i32_0 : i32, i32
  }
  func.func @transform_6(%arg0: i32) -> (i32, i32) {
    %c0_i32 = arith.constant 0 : i32
    %c0_i32_0 = arith.constant 0 : i32
    return %arg0, %c0_i32 : i32, i32
  }
}

module attributes {stable_mosaic.version = 14 : i64} {
  func.func @body(%arg0: i32, %arg1: memref<2x448x128xf32, #tpu.memory_space<vmem>>, %arg2: memref<448x128xf32, #tpu.memory_space<vmem>>, %arg3: memref<2x448x128xf32, #tpu.memory_space<vmem>>, %arg4: memref<1x128xf32, #tpu.memory_space<vmem>>, %arg5: memref<128x16xf32, #tpu.memory_space<vmem>>, %arg6: memref<448x16xf32, #tpu.memory_space<vmem>>) attributes {dimension_semantics = [#tpu.dimension_semantics<arbitrary>], iteration_bounds = array<i64: 28>, scalar_prefetch = 0 : i64, scratch_operands = 0 : i64, tpu.core_type = #tpu.core_type<tc>, window_params = [{transform_indices = @transform_0, window_bounds = array<i64: 2, 448, 128>}, {transform_indices = @transform_1, window_bounds = array<i64: 448, 128>}, {transform_indices = @transform_2, window_bounds = array<i64: 2, 448, 128>}, {pipeline_mode = #tpu.pipeline_mode<synchronous>, transform_indices = @transform_3, window_bounds = array<i64: 1, 128>}, {pipeline_mode = #tpu.pipeline_mode<synchronous>, transform_indices = @transform_4, window_bounds = array<i64: 128, 16>}, {transform_indices = @transform_5, window_bounds = array<i64: 448, 16>}]} {
    %get3A = arith.constant 0 : index
    %get3A_0 = arith.constant 0 : index
    %get3A_1 = arith.constant 0 : index
    %get3A_2 = vector.load %arg3[%get3A, %get3A_0, %get3A_1] : memref<2x448x128xf32, #tpu.memory_space<vmem>>, vector<1x448x128xf32>
    %get3A_3 = vector.shape_cast %get3A_2 : vector<1x448x128xf32> to vector<448x128xf32>
    %get3A_4 = arith.constant 1 : index
    %get3A_5 = arith.constant 0 : index
    %get3A_6 = arith.constant 0 : index
    %get3A_7 = vector.load %arg3[%get3A_4, %get3A_5, %get3A_6] : memref<2x448x128xf32, #tpu.memory_space<vmem>>, vector<1x448x128xf32>
    %get3A_8 = vector.shape_cast %get3A_7 : vector<1x448x128xf32> to vector<448x128xf32>
    %add3A = arith.addf %get3A_3, %get3A_8 : vector<448x128xf32>
    %slice3A = vector.extract_strided_slice %add3A {offsets = [0, 120], sizes = [448, 8], strides = [1, 1]} : vector<448x128xf32> to vector<448x8xf32>
    %slice3A_9 = vector.extract_strided_slice %add3A {offsets = [0, 0], sizes = [448, 120], strides = [1, 1]} : vector<448x128xf32> to vector<448x120xf32>
    %concatenate3A = tpu.concatenate %slice3A, %slice3A_9 in 1 : vector<448x8xf32>, vector<448x120xf32> -> vector<448x128xf32>
    %add3A_10 = arith.addf %add3A, %concatenate3A : vector<448x128xf32>
    %add3A_11 = arith.constant 1.000000e+00 : f32
    %add3A_12 = vector.broadcast %add3A_11 : f32 to vector<448x128xf32>
    %add3A_13 = arith.addf %add3A_10, %add3A_12 : vector<448x128xf32>
    %rsqrt3A = math.rsqrt %add3A_13 : vector<448x128xf32>
    %get3A_14 = arith.constant 0 : index
    %get3A_15 = arith.constant 0 : index
    %get3A_16 = arith.constant 0 : index
    %get3A_17 = vector.load %arg1[%get3A_14, %get3A_15, %get3A_16] : memref<2x448x128xf32, #tpu.memory_space<vmem>>, vector<1x448x128xf32>
    %get3A_18 = vector.shape_cast %get3A_17 : vector<1x448x128xf32> to vector<448x128xf32>
    %get3A_19 = arith.constant 1 : index
    %get3A_20 = arith.constant 0 : index
    %get3A_21 = arith.constant 0 : index
    %get3A_22 = vector.load %arg1[%get3A_19, %get3A_20, %get3A_21] : memref<2x448x128xf32, #tpu.memory_space<vmem>>, vector<1x448x128xf32>
    %get3A_23 = vector.shape_cast %get3A_22 : vector<1x448x128xf32> to vector<448x128xf32>
    %add3A_24 = arith.addf %get3A_18, %get3A_23 : vector<448x128xf32>
    %get3A_25 = arith.constant 0 : index
    %get3A_26 = arith.constant 0 : index
    %get3A_27 = vector.load %arg2[%get3A_25, %get3A_26] : memref<448x128xf32, #tpu.memory_space<vmem>>, vector<448x128xf32>
    %add3A_28 = arith.addf %add3A_24, %get3A_27 : vector<448x128xf32>
    %mul3A = arith.mulf %add3A_28, %rsqrt3A : vector<448x128xf32>
    %get3A_29 = arith.constant 0 : index
    %get3A_30 = arith.constant 0 : index
    %get3A_31 = vector.load %arg4[%get3A_29, %get3A_30] : memref<1x128xf32, #tpu.memory_space<vmem>>, vector<1x128xf32>
    %add3A_32 = vector.broadcast %get3A_31 : vector<1x128xf32> to vector<448x128xf32>
    %add3A_33 = arith.addf %mul3A, %add3A_32 : vector<448x128xf32>
    %get3A_34 = arith.constant 0 : index
    %get3A_35 = arith.constant 0 : index
    %get3A_36 = vector.load %arg5[%get3A_34, %get3A_35] : memref<128x16xf32, #tpu.memory_space<vmem>>, vector<128x16xf32>
    %dot_general3A = arith.constant dense<0.000000e+00> : vector<448x16xf32>
    %dot_general3A_37 = tpu.matmul %add3A_33, %get3A_36, %dot_general3A {dimension_numbers = #tpu.dot_dimension_numbers<[1], [0], [0], [1], [0, 0, 1, 1], [], []>, precision = #tpu.contract_precision<fp32>, transpose_lhs_hint = false} : vector<448x128xf32>, vector<128x16xf32>, vector<448x16xf32> -> vector<448x16xf32>
    %swap3A = arith.constant 0 : index
    %swap3A_38 = arith.constant 0 : index
    %swap3A_39 = vector.load %arg6[%swap3A, %swap3A_38] : memref<448x16xf32, #tpu.memory_space<vmem>>, vector<448x16xf32>
    tpu.vector_store %arg6[%swap3A, %swap3A_38], %dot_general3A_37 {strides = array<i32>} : memref<448x16xf32, #tpu.memory_space<vmem>>, vector<448x16xf32>,
    return
  }
  func.func @transform_0(%arg0: i32) -> (i32, i32, i32) {
    %c0_i32 = arith.constant 0 : i32
    %c0_i32_0 = arith.constant 0 : i32
    %c0_i32_1 = arith.constant 0 : i32
    return %c0_i32, %arg0, %c0_i32_0 : i32, i32, i32
  }
  func.func @transform_1(%arg0: i32) -> (i32, i32) {
    %c0_i32 = arith.constant 0 : i32
    %c0_i32_0 = arith.constant 0 : i32
    return %arg0, %c0_i32 : i32, i32
  }
  func.func @transform_2(%arg0: i32) -> (i32, i32, i32) {
    %c0_i32 = arith.constant 0 : i32
    %c0_i32_0 = arith.constant 0 : i32
    %c0_i32_1 = arith.constant 0 : i32
    return %c0_i32, %arg0, %c0_i32_0 : i32, i32, i32
  }
  func.func @transform_3(%arg0: i32) -> (i32, i32) {
    %c0_i32 = arith.constant 0 : i32
    %c0_i32_0 = arith.constant 0 : i32
    %c0_i32_1 = arith.constant 0 : i32
    return %c0_i32, %c0_i32_0 : i32, i32
  }
  func.func @transform_4(%arg0: i32) -> (i32, i32) {
    %c0_i32 = arith.constant 0 : i32
    %c0_i32_0 = arith.constant 0 : i32
    %c0_i32_1 = arith.constant 0 : i32
    return %c0_i32, %c0_i32_0 : i32, i32
  }
  func.func @transform_5(%arg0: i32) -> (i32, i32) {
    %c0_i32 = arith.constant 0 : i32
    %c0_i32_0 = arith.constant 0 : i32
    return %arg0, %c0_i32 : i32, i32
  }
}

</mosaic_0001>

<sc_bundles>
// kernel: kernel.11.cloned.1.call-start
scs
__scs_entry_jumppad:
0x0: {  	(pc) =	sbr.rel $0x88, $3  }
0x1: {  	(tag) =	ssettag $0x0;
	lr =	simm.s32 $0x1  }
0x2: {  	[smem:$0x3F9B] =	sst lr;
	_ =	strace $0xD0000000  }
0x3: {  	_ = 	snop  }
0x4: {  	_ = 	snop  }
0x5: {  	_ = 	snop  }
0x6: {  	_ = 	snop  }
0x7: {  	_ = 	snop  }
__scs_overlays_trampoline_lowered:
0x8: {  	[smem:$0x3FAA] =	sst s0  }
0x9: {  	[smem:$0x3FAB] =	sst s1  }
0xa: {  	[smem:$0x3FAC] =	sst s2  }
0xb: {  	[smem:$0x3FAD] =	sst s3  }
0xc: {  	[smem:$0x3FAE] =	sst s4  }
0xd: {  	[smem:$0x3FAF] =	sst s5  }
0xe: {  	[smem:$0x3FB0] =	sst s6  }
0xf: {  	[smem:$0x3FB1] =	sst s7  }
0x10: {  	[smem:$0x3FB2] =	sst s8  }
0x11: {  	[smem:$0x3FB3] =	sst s9;
	s0 =	simm.s32 @!p0 $0x0  }
0x12: {  	s1 =	sld [smem:$0x3F99];
	s0 =	simm.s32 @p0 $0x1  }
0x13: {  	[smem:$0x3FB4] =	sst s0;
	s0 =	simm.s32 @!p1 $0x0  }
0x14: {  	s2 =	sld [smem:$0x3F98];
	s0 =	simm.s32 @p1 $0x1  }
0x15: {  	[smem:$0x3FB5] =	sst s0;
	s0 =	simm.s32 @!p2 $0x0  }
0x16: {  	s3 =	sld [smem:$0x3FDB];
	s0 =	simm.s32 @p2 $0x1  }
0x17: {  	s4 =	simm.s32 $0x1BF5;
	[smem:$0x3FB7] =	sst s0  }
0x18: {  	s0 =	sld [smem:$0x3F9A];
	_ =	swait.ge [sflag:s4], $0x0  }
0x19: {  	s7 =	sld [smem:$0x3F9B]  }
0x1a: {  	s8 =	sadd.s32 $0xFFFFE003, lr  }
0x1b: {  	s9 =	sadd.s32 $0xFFFFFEF7, lr;
	s5 =	simm.s32 $0xFFFFFFFF;
	p2 =	slt.u32 s8, $0xFFFFF086  }
0x1c: {  	p1 =	slt.u32 s9, $0xF7A;
	s5 =	simm.s32 @!p2 $0x0  }
0x1d: {  	s5 =	simm.s32 @p1 $0x1;
	p0 =	seq.s32 s7, s2  }
0x1e: {  	s7 =	smul.u32 @!p0 $0xF7A, s2;
	p2 =	seq.s32 @!p0 s5, $0x0  }
0x1f: {  	s9 =	smul.u32 $0xF7A, s1;
	s8 =	simm.s32 @!p0 $0x1BF5;
	p2 =	por !p2, p0  }
0x20: {  	[sflag:s8] =	ssyncset.s32 @!p0 $0xFFFFF086;
	s6 =	sadd.s32 @!p0 s3, s7;
	s7 =	simm.s32 @!p0 $0x108  }
0x21: {  	s3 =	sadd.s32 s3, s9;
	s6 =	sadd.s32 @!p0 $0x88, s6;
	s7 =	simm.s32 @p2 $0x1082  }
0x22: {  	[simem:s7], [sflag:s8] =	dma.local @!p0 [hbm:s6], $0xF7A  }
0x23: {  	s9 =	sor.u32 $0xD0000000, s2;
	s6 =	simm.s32 $0x108;
	_ =	swait.ge @!p0 [sflag:s8], $0x0  }
0x24: {  	s3 =	sadd.s32 $0x88, s3;
	s6 =	simm.s32 @!p1 $0x1082;
	[sflag:s4] =	ssyncset.s32 $0xFFFFF086  }
0x25: {  	[simem:s6], [sflag:s4] =	dma.local [hbm:s3], $0xF7A  }
0x26: {  	[smem:$0x3F9B] =	sst s1;
	(tag) =	ssettag s2;
	_ =	strace s9  }
0x27: {  	s1 =	sld [smem:$0x3FAB]  }
0x28: {  	s2 =	sld [smem:$0x3FAC]  }
0x29: {  	s4 =	sld [smem:$0x3FAE]  }
0x2a: {  	p0 =	seq.s32 s5, $0x0;
	s5 =	sld [smem:$0x3FAF]  }
0x2b: {  	s6 =	sld [smem:$0x3FB0]  }
0x2c: {  	s7 =	sld [smem:$0x3FB1]  }
0x2d: {  	s3 =	simm.s32 $0x108;
	s8 =	sld [smem:$0x3FB2]  }
0x2e: {  	s3 =	simm.s32 @!p0 $0x1082;
	s9 =	sld [smem:$0x3FB3]  }
0x2f: {  	lr =	sadd.s32 s0, s3;
	s0 =	sld [smem:$0x3FAA]  }
0x30: {  	s3 =	sld [smem:$0x3FAD]  }
0x31: {  	[smem:$0x3FB6] =	sst s10  }
0x32: {  	s10 =	sld [smem:$0x3FB4];
	_ =	sdelay $0x3  }
0x33: {  	p0 =	seq.s32 s10, $0x1;
	s10 =	sld [smem:$0x3FB6];
	_ =	sdelay $0x3  }
0x34: {  	[smem:$0x3FB6] =	sst s10  }
0x35: {  	s10 =	sld [smem:$0x3FB5];
	_ =	sdelay $0x3  }
0x36: {  	p1 =	seq.s32 s10, $0x1;
	s10 =	sld [smem:$0x3FB6];
	_ =	sdelay $0x3  }
0x37: {  	[smem:$0x3FB6] =	sst s10  }
0x38: {  	s10 =	sld [smem:$0x3FB7]  }
0x39: {  	_ = 	snop;
	(pc) =	sbr.ind lr, $3  }
0x3a: {  	_ = 	snop  }
0x3b: {  	_ = 	snop  }
0x3c: {  	p2 =	seq.s32 s10, $0x1;
	s10 =	sld [smem:$0x3FB6]  }
0x3d: {  	_ =	shalt  }
0x3e: {  	_ =	shalt  }
0x3f: {  	_ =	shalt  }
0x40: {  	_ =	shalt  }
0x41: {  	_ =	shalt  }
0x42: {  	_ =	shalt  }
0x43: {  	_ =	shalt  }
0x44: {  	_ =	shalt  }
0x45: {  	_ =	shalt  }
0x46: {  	_ =	shalt  }
0x47: {  	_ =	shalt  }
0x48: {  	_ =	shalt  }
0x49: {  	_ =	shalt  }
0x4a: {  	_ =	shalt  }
0x4b: {  	_ =	shalt  }
0x4c: {  	_ =	shalt  }
0x4d: {  	_ =	shalt  }
0x4e: {  	_ =	shalt  }
0x4f: {  	_ =	shalt  }
0x50: {  	_ =	shalt  }
0x51: {  	_ =	shalt  }
0x52: {  	_ =	shalt  }
0x53: {  	_ =	shalt  }
0x54: {  	_ =	shalt  }
0x55: {  	_ =	shalt  }
0x56: {  	_ =	shalt  }
0x57: {  	_ =	shalt  }
0x58: {  	_ =	shalt  }
0x59: {  	_ =	shalt  }
0x5a: {  	_ =	shalt  }
0x5b: {  	_ =	shalt  }
0x5c: {  	_ =	shalt  }
0x5d: {  	_ =	shalt  }
0x5e: {  	_ =	shalt  }
0x5f: {  	_ =	shalt  }
0x60: {  	_ =	shalt  }
0x61: {  	_ =	shalt  }
0x62: {  	_ =	shalt  }
0x63: {  	_ =	shalt  }
0x64: {  	_ =	shalt  }
0x65: {  	_ =	shalt  }
0x66: {  	_ =	shalt  }
0x67: {  	_ =	shalt  }
0x68: {  	_ =	shalt  }
0x69: {  	_ =	shalt  }
0x6a: {  	_ =	shalt  }
0x6b: {  	_ =	shalt  }
0x6c: {  	_ =	shalt  }
0x6d: {  	_ =	shalt  }
0x6e: {  	_ =	shalt  }
0x6f: {  	_ =	shalt  }
0x70: {  	_ =	shalt  }
0x71: {  	_ =	shalt  }
0x72: {  	_ =	shalt  }
0x73: {  	_ =	shalt  }
0x74: {  	_ =	shalt  }
0x75: {  	_ =	shalt  }
0x76: {  	_ =	shalt  }
0x77: {  	_ =	shalt  }
0x78: {  	_ =	shalt  }
0x79: {  	_ =	shalt  }
0x7a: {  	_ =	shalt  }
0x7b: {  	_ =	shalt  }
0x7c: {  	_ =	shalt  }
0x7d: {  	_ =	shalt  }
0x7e: {  	_ =	shalt  }
0x7f: {  	_ =	shalt  }
0x80: {  	_ =	shalt  }
0x81: {  	_ =	shalt  }
0x82: {  	_ =	shalt  }
0x83: {  	_ =	shalt  }
0x84: {  	_ =	shalt  }
0x85: {  	_ =	shalt  }
0x86: {  	_ =	shalt  }
0x87: {  	_ =	shalt  }
.Lfunc_end0:
.L_simem_size_0:
called_computation.1_lowered:
.L_overlay_start_0:
0x88: {  	s2 =	sld [smem:$0x3FD9]  }
0x89: {  	s3 =	sld [smem:$0x3FFE];
	_ =	sdelay $0x1  }
0x8a: {  	s1 =	srdreg.scid  }
0x8b: {  	s0 =	sand.u32 $0x1, s1  }
0x8c: {  	s16 =	sshll.u32 s0, $0xA;
	s2 =	sadd.s32 s3, s2  }
0x8d: {  	s2 =	sadd.s32 s2, s16  }
0x8e: {  	[smem:$0x3FC2] =	sst s2  }
0x8f: {  	_ = 	snop  }
0x90: {  	(tm) =	ssettm $0x1  }
0x91: {  	s17 =	sld [smem:$0x3FFB];
	_ =	sdelay $0x3  }
0x92: {  	_ =	strace s17  }
0x93: {  	s2 =	sld [smem:$0x3FFC];
	_ =	sdelay $0x3  }
0x94: {  	_ =	strace s2  }
0x95: {  	s2 =	sld [smem:$0x3FFD];
	_ =	sdelay $0x3  }
0x96: {  	_ =	strace s2  }
0x97: {  	_ =	strace $0x8FFFFFFF  }
0x98: {  	s18 =	sld [smem:$0x3FDB];
	_ =	sdelay $0x1  }
0x99: {  	s19 =	simm.s32 $_scs_section_size  }
0x9a: {  	s4 =	simm.s32 $_size__tile_overlayer_lowered;
	s5 =	simm.s32 $_tile_overlayer_lowered  }
0x9b: {  	s22 =	simm.s32 $0x1BFF;
	s21 =	sshll.u32 s5, $0x1;
	s2 =	sadd.s32 s19, s18  }
0x9c: {  	s6 =	simm.s32 $0x0;
	s20 =	sshll.u32 s4, $0x1;
	s4 =	sadd.s32 s21, s2  }
0x9d: {  	[timem:s6], [sflag:s22] =	dma.local [hbm:s4], s20  }
0x9e: {  	_ =	swait.ge [sflag:s22], s20  }
0x9f: {  	s3 =	ssub.s32 $0x0, s20;
	[sflag:s22] =	ssyncset.done $0x0  }
0xa0: {  	[sflag:s22] =	ssyncadd.s32 s3;
	_ =	sdelay $0x1  }
0xa1: {  	s23 =	simm.s32 $0x1B8B  }
0xa2: {  	_ =	swait.ge [sflag:s23], $0x1  }
0xa3: {  	[sflag:s23] =	ssyncset.done $0x0  }
0xa4: {  	s25 =	simm.s32 $0x1B8E;
	s24 =	sld [smem:$0x3FFE];
	[sflag:s23] =	ssyncadd.s32 $0xFFFFFFFF  }
0xa5: {  	s26 =	simm.s32 $execute0_lowered;
	[smem:$0x3FD2] =	sst s25  }
0xa6: {  	s4 =	sshll.u32 s26, $0x1;
	_ =	strace $0x80000049;
	[dreg:$0x1] =	wrdreg $0xFFFFFFFF  }
0xa7: {  	s28 =	simm.s32 $_size_execute0_lowered;
	s2 =	sadd.s32 s2, s4;
	[dreg:$0x0] =	wrdreg $0x0  }
0xa8: {  	s4 =	sshll.u32 s28, $0x1;
	[dreg:$0x2] =	wrdreg s2  }
0xa9: {  	[dreg:$0x3] =	wrdreg s4  }
0xaa: {  	[dreg:$0x4] =	wrdreg $0xC0  }
0xab: {  	_ =	task [dreg:s6], $0x5FFFF  }
0xac: {  	[dreg:$0x1] =	wrdreg $0xFFFFFFFF  }
0xad: {  	[dreg:$0x0] =	wrdreg $0x60  }
0xae: {  	[dreg:$0x2] =	wrdreg s24  }
0xaf: {  	[dreg:$0x3] =	wrdreg $0x48000  }
0xb0: {  	[dreg:$0x4] =	wrdreg $0x9  }
0xb1: {  	_ =	task.clear_ibuf [dreg:s6], $0x5FFFF;
	_ =	strace $0x90000049  }
0xb2: {  	s29 =	simm.s32 $0x9;
	_ =	strace $0x8000004B  }
0xb3: {  	_ =	swait.ge [sflag:s29], $0x1  }
0xb4: {  	[sflag:s29] =	ssyncadd.s32 $0xFFFFFFFF  }
0xb5: {  	_ =	strace $0x9000004B  }
0xb6: {  	_ =	sfence  }
0xb7: {  	s30 =	sld [smem:$0x0];
	_ =	sdelay $0x2  }
0xb8: {  	s31 =	sshll.u32 s1, $0xD;
	s1 =	sshrl.u32 s1, $0x2  }
0xb9: {  	s3 =	sand.u32 $0x4000, s31;
	s1 =	sadd.s32 s1, s30  }
0xba: {  	s0 =	sor.u32 s3, s0;
	s1 =	sshll.u32 s1, $0x11  }
0xbb: {  	s0 =	sor.u32 s1, s0  }
0xbc: {  	s0 =	sadd.s32 $0x8F2B, s0  }
0xbd: {  	[sflag:s0] =	ssyncadd.remote.s32 $0x1  }
0xbe: {  	_ =	sfence.sel $0xFFFF  }
0xbf: {  	[dreg:$0x0] =	wrdreg $0xFFFFFFFF;
	(pc) =	sbr.abs _section_cstart, $3  }
0xc0: {  	[dreg:$0x1] =	wrdreg $0xFFFFFFFF  }
0xc1: {  	_ =	task.clear_ibuf [dreg:s6], $0x2FFFF;
	_ =	strace $0x9FFFFFFF  }
0xc2: {  	(tm) =	ssettm $0x7FFFFFFF  }
0xc3: {  	_ =	shalt  }
tec
execute0_lowered:
.L_overlay_start_1:
0x0: {  	(tag) =	ssettag $0x1  }
0x1: {  	s5 =	rddreg [dreg:$0x0]  }
0x2: {  	s2 =	rddreg [dreg:$0x1];
	s3 =	simm.s32 $0x0;
	s0 =	stileid.u32  }
0x3: {  	s7 =	srdreg.scid;
	s19 =	simm.s32 $0x400;
	s20 =	simm.s32 $0x200  }
0x4: {  	s21 =	simm.s32 $0x800;
	s22 =	simm.s32 $0x600;
	s23 =	simm.s32 $0x2800  }
0x5: {  	s24 =	simm.s32 $0x1;
	s25 =	simm.s32 $0x3;
	s26 =	simm.s32 $0x2  }
0x6: {  	s28 =	simm.s32 $0x0;
	[smem:$0x7FF] =	sst s3;
	s6 =	smul.u32 $0x18800, s0  }
0x7: {  	s4 =	sadd.s32 $0x21D000, s5;
	s7 =	sand.u32 $0x1, s7;
	s16 =	sadd.s32 $0x2000, s5  }
0x8: {  	s15 =	sadd.s32 $0x64000, s5;
	s31 =	sshll.u32 s0, $0x6;
	_ =	strace $0x8000004A  }
0x9: {  	s9 =	smul.u32 $0x188000, s7;
	s10 =	sshll.u32 s7, $0x4;
	s7 =	ssub.s32 $0x2, s7  }
0xa: {  	s8 =	sshrl.u32 s6, $0x3;
	s29 =	sor.u32 s0, s10;
	s11 =	sshrl.u32 s7, $0x1  }
0xb: {  	s17 =	sadd.s32 s6, s2;
	s8 =	sadd.s32 s8, s5;
	s12 =	sadd.s32 s6, s9  }
0xc: {  	s9 =	smul.u32 $0x18800, s29;
	s11 =	ssub.s32 s7, s11;
	s6 =	sor.u32 $0x1C04, s31  }
0xd: {  	s17 =	sshrl.u32 s17, $0x3;
	s30 =	sshrl.u32 s12, $0x3;
	s14 =	sor.u32 $0x400, s12  }
0xe: {  	s18 =	sor.u32 $0x200, s12;
	s10 =	sadd.s32 s30, s5;
	s5 =	sadd.s32 $0x18A000, s8  }
0xf: {  	s13 =	sshrl.u32 s9, $0x3;
	s14 =	sshrl.u32 s14, $0x3;
	s18 =	sshrl.u32 s18, $0x3  }
0x10: {  	s7 =	sadd.s32 s16, s13;
	s8 =	sadd.s32 s15, s13;
	s13 =	sadd.s32 $0x30C0, s13  }
0x11: {  	s9 =	sadd.s32 $0x24E000, s10;
	s10 =	smax.u32 s11, $0x1;
	s11 =	sadd.s32 s16, s13  }
0x12: {  	s12 =	sadd.s32 s15, s13;
	s13 =	sadd.s32 s14, s15;
	s14 =	sadd.s32 s14, s16  }
0x13: {  	s15 =	sadd.s32 s18, s15;
	s16 =	sadd.s32 s18, s16;
	s18 =	simm.s32 $0x4  }
.LBB2_1:
0x14: {  	[spmem:s17], [sflag:s6] =	dma.local [hbm:s5], $0x3100  }
0x15: {  	_ =	swait.ge [sflag:s18], $0x3100  }
0x16: {  	[sflag:s18] =	ssyncset.done $0x0  }
0x17: {  	[sflag:s18] =	ssyncadd.s32 $0xFFFFCF00  }
0x18: {  	[bflag:$0x0] =	sbarrier.arrive $0xFFFF  }
0x19: {  	[tilespmem:s3], [sflag:$0x4] =	stream.linear.gather [hbm4b:s7+s3], $0x200, $0x38;
	[tilespmem:$0x1D000] =	vst v63  }
0x1a: {  	_ =	swait.ge [sflag:s18], $0x200  }
0x1b: {  	[sflag:s18] =	ssyncset.done $0x0  }
0x1c: {  	[sflag:s18] =	ssyncadd.s32 $0xFFFFFE00  }
0x1d: {  	[tilespmem:s19], [sflag:$0x4] =	stream.linear.gather [hbm4b:s8+s3], $0x200, $0x38;
	[tilespmem:$0x1D000] =	vst v63  }
0x1e: {  	_ =	swait.ge [sflag:s18], $0x200  }
0x1f: {  	[sflag:s18] =	ssyncset.done $0x0  }
0x20: {  	[sflag:s18] =	ssyncadd.s32 $0xFFFFFE00  }
0x21: {  	[tilespmem:s21], [sflag:$0x1] =	stream.indirect.gather [hbm4b:s4+s20], $0x10, s3, s20, $0xb8;
	[tilespmem:$0x1D000] =	vst v63  }
0x22: {  	s29 =	sadd.s32 $0x0, s16  }
0x23: {  	[tilespmem:s20], [sflag:$0x4] =	stream.linear.gather [hbm4b:s29+s3], $0x200, $0x38;
	[tilespmem:$0x1D000] =	vst v63  }
0x24: {  	_ =	swait.ge [sflag:s18], $0x200  }
0x25: {  	[sflag:s18] =	ssyncset.done $0x0  }
0x26: {  	s29 =	sadd.s32 $0x0, s15;
	[sflag:s18] =	ssyncadd.s32 $0xFFFFFE00  }
0x27: {  	[tilespmem:s22], [sflag:$0x4] =	stream.linear.gather [hbm4b:s29+s3], $0x200, $0x38;
	[tilespmem:$0x1D000] =	vst v63  }
0x28: {  	_ =	swait.ge [sflag:s18], $0x200  }
0x29: {  	[sflag:s18] =	ssyncset.done $0x0  }
0x2a: {  	[sflag:s18] =	ssyncadd.s32 $0xFFFFFE00  }
0x2b: {  	[tilespmem:s23], [sflag:$0x2] =	stream.indirect.gather [hbm4b:s4+s20], $0x10, s20, s20, $0xb8;
	[tilespmem:$0x1D000] =	vst v63  }
0x2c: {  	_ =	swait.ge [sflag:s24], $0x2000  }
0x2d: {  	[sflag:s24] =	ssyncset.done $0x0  }
0x2e: {  	[sflag:s24] =	ssyncadd.s32 $0xFFFFE000  }
0x2f: {  	[spmem:s2] =	stream.indirect.scatter.add.f32 [tilespmem:s21], [sflag:$0x3], $0x10, s19, s20, $0xb8;
	[tilespmem:$0x1D000] =	vst v63  }
0x30: {  	_ =	swait.ge [sflag:s25], $0x2000  }
0x31: {  	[sflag:s25] =	ssyncset.done $0x0  }
0x32: {  	s29 =	sadd.s32 $0x0, s14;
	[sflag:s25] =	ssyncadd.s32 $0xFFFFE000  }
0x33: {  	[tilespmem:s3], [sflag:$0x4] =	stream.linear.gather [hbm4b:s29+s3], $0x200, $0x38;
	[tilespmem:$0x1D000] =	vst v63  }
0x34: {  	_ =	swait.ge [sflag:s18], $0x200  }
0x35: {  	[sflag:s18] =	ssyncset.done $0x0  }
0x36: {  	s29 =	sadd.s32 $0x0, s13;
	[sflag:s18] =	ssyncadd.s32 $0xFFFFFE00  }
0x37: {  	[tilespmem:s19], [sflag:$0x4] =	stream.linear.gather [hbm4b:s29+s3], $0x200, $0x38;
	[tilespmem:$0x1D000] =	vst v63  }
0x38: {  	_ =	swait.ge [sflag:s18], $0x200  }
0x39: {  	[sflag:s18] =	ssyncset.done $0x0  }
0x3a: {  	[sflag:s18] =	ssyncadd.s32 $0xFFFFFE00  }
0x3b: {  	[tilespmem:s21], [sflag:$0x1] =	stream.indirect.gather [hbm4b:s4+s20], $0x10, s3, s20, $0xb8;
	[tilespmem:$0x1D000] =	vst v63  }
0x3c: {  	_ =	swait.ge [sflag:s26], $0x2000  }
0x3d: {  	[sflag:s26] =	ssyncset.done $0x0  }
0x3e: {  	[sflag:s26] =	ssyncadd.s32 $0xFFFFE000  }
0x3f: {  	[spmem:s2] =	stream.indirect.scatter.add.f32 [tilespmem:s23], [sflag:$0x3], $0x10, s22, s20, $0xb8;
	[tilespmem:$0x1D000] =	vst v63  }
0x40: {  	_ =	swait.ge [sflag:s25], $0x2000  }
0x41: {  	s31 =	simm.s32 $0x100;
	s29 =	simm.s32 $0x80;
	[sflag:s25] =	ssyncset.done $0x0  }
.LBB2_2:
0x42: {  	s0 =	sadd.s32 s29, s16  }
0x43: {  	[sflag:s25] =	ssyncadd.s32 $0xFFFFE000;
	s1 =	smov.u32 s31;
	s30 =	sadd.s32 $0x80, s31  }
0x44: {  	[tilespmem:s20], [sflag:$0x4] =	stream.linear.gather [hbm4b:s0+s3], $0x200, $0x38;
	[tilespmem:$0x1D000] =	vst v63  }
0x45: {  	p0 =	sne.s32 s31, $0x3000;
	_ =	swait.ge [sflag:s18], $0x200  }
0x46: {  	[sflag:s18] =	ssyncset.done $0x0  }
0x47: {  	s0 =	sadd.s32 s29, s15;
	[sflag:s18] =	ssyncadd.s32 $0xFFFFFE00  }
0x48: {  	[tilespmem:s22], [sflag:$0x4] =	stream.linear.gather [hbm4b:s0+s3], $0x200, $0x38;
	[tilespmem:$0x1D000] =	vst v63  }
0x49: {  	_ =	swait.ge [sflag:s18], $0x200  }
0x4a: {  	[sflag:s18] =	ssyncset.done $0x0  }
0x4b: {  	[sflag:s18] =	ssyncadd.s32 $0xFFFFFE00  }
0x4c: {  	[tilespmem:s23], [sflag:$0x2] =	stream.indirect.gather [hbm4b:s4+s20], $0x10, s20, s20, $0xb8;
	[tilespmem:$0x1D000] =	vst v63  }
0x4d: {  	_ =	swait.ge [sflag:s24], $0x2000  }
0x4e: {  	[sflag:s24] =	ssyncset.done $0x0  }
0x4f: {  	[sflag:s24] =	ssyncadd.s32 $0xFFFFE000  }
0x50: {  	[spmem:s2] =	stream.indirect.scatter.add.f32 [tilespmem:s21], [sflag:$0x3], $0x10, s19, s20, $0xb8;
	[tilespmem:$0x1D000] =	vst v63  }
0x51: {  	_ =	swait.ge [sflag:s25], $0x2000  }
0x52: {  	[sflag:s25] =	ssyncset.done $0x0  }
0x53: {  	s0 =	sadd.s32 s29, s14;
	[sflag:s25] =	ssyncadd.s32 $0xFFFFE000  }
0x54: {  	[tilespmem:s3], [sflag:$0x4] =	stream.linear.gather [hbm4b:s0+s3], $0x200, $0x38;
	[tilespmem:$0x1D000] =	vst v63  }
0x55: {  	_ =	swait.ge [sflag:s18], $0x200  }
0x56: {  	[sflag:s18] =	ssyncset.done $0x0  }
0x57: {  	s0 =	sadd.s32 s29, s13;
	s29 =	smov.u32 s1;
	[sflag:s18] =	ssyncadd.s32 $0xFFFFFE00  }
0x58: {  	[tilespmem:s19], [sflag:$0x4] =	stream.linear.gather [hbm4b:s0+s3], $0x200, $0x38;
	[tilespmem:$0x1D000] =	vst v63  }
0x59: {  	_ =	swait.ge [sflag:s18], $0x200  }
0x5a: {  	[sflag:s18] =	ssyncset.done $0x0  }
0x5b: {  	[sflag:s18] =	ssyncadd.s32 $0xFFFFFE00  }
0x5c: {  	[tilespmem:s21], [sflag:$0x1] =	stream.indirect.gather [hbm4b:s4+s20], $0x10, s3, s20, $0xb8;
	[tilespmem:$0x1D000] =	vst v63  }
0x5d: {  	_ =	swait.ge [sflag:s26], $0x2000  }
.Ltmp0:
0x5e: {  	[sflag:s26] =	ssyncset.done $0x0;
	(pc) =	sbr.rel @p0 .LBB2_2-.Ltmp0, $4  }
0x5f: {  	[sflag:s26] =	ssyncadd.s32 $0xFFFFE000  }
0x60: {  	[spmem:s2] =	stream.indirect.scatter.add.f32 [tilespmem:s23], [sflag:$0x3], $0x10, s22, s20, $0xb8;
	[tilespmem:$0x1D000] =	vst v63  }
0x61: {  	_ =	swait.ge [sflag:s25], $0x2000  }
0x62: {  	s31 =	smov.u32 s30;
	[sflag:s25] =	ssyncset.done $0x0  }
0x63: {  	s0 =	sadd.s32 s29, s16;
	[sflag:s25] =	ssyncadd.s32 $0xFFFFE000  }
0x64: {  	[tilespmem:s20], [sflag:$0x4] =	stream.linear.gather [hbm4b:s0+s3], $0x200, $0x38;
	[tilespmem:$0x1D000] =	vst v63  }
0x65: {  	_ =	swait.ge [sflag:s18], $0x200  }
0x66: {  	[sflag:s18] =	ssyncset.done $0x0  }
0x67: {  	s1 =	sadd.s32 s29, s15;
	[sflag:s18] =	ssyncadd.s32 $0xFFFFFE00  }
0x68: {  	[tilespmem:s22], [sflag:$0x4] =	stream.linear.gather [hbm4b:s1+s3], $0x200, $0x38;
	[tilespmem:$0x1D000] =	vst v63  }
0x69: {  	_ =	swait.ge [sflag:s18], $0x200  }
0x6a: {  	[sflag:s18] =	ssyncset.done $0x0  }
0x6b: {  	[sflag:s18] =	ssyncadd.s32 $0xFFFFFE00  }
0x6c: {  	[tilespmem:s23], [sflag:$0x2] =	stream.indirect.gather [hbm4b:s4+s20], $0x10, s20, s20, $0xb8;
	[tilespmem:$0x1D000] =	vst v63  }
0x6d: {  	_ =	swait.ge [sflag:s24], $0x2000  }
0x6e: {  	[sflag:s24] =	ssyncset.done $0x0  }
0x6f: {  	[sflag:s24] =	ssyncadd.s32 $0xFFFFE000  }
0x70: {  	[spmem:s2] =	stream.indirect.scatter.add.f32 [tilespmem:s21], [sflag:$0x3], $0x10, s19, s20, $0xb8;
	[tilespmem:$0x1D000] =	vst v63  }
0x71: {  	_ =	swait.ge [sflag:s25], $0x2000  }
0x72: {  	[sflag:s25] =	ssyncset.done $0x0  }
0x73: {  	s30 =	sadd.s32 s29, s14;
	[sflag:s25] =	ssyncadd.s32 $0xFFFFE000  }
0x74: {  	[tilespmem:s3], [sflag:$0x4] =	stream.linear.gather [hbm4b:s30+s3], $0x200, $0x38;
	[tilespmem:$0x1D000] =	vst v63  }
0x75: {  	_ =	swait.ge [sflag:s18], $0x200  }
0x76: {  	[sflag:s18] =	ssyncset.done $0x0  }
0x77: {  	s31 =	sadd.s32 s29, s13;
	[sflag:s18] =	ssyncadd.s32 $0xFFFFFE00  }
0x78: {  	[tilespmem:s19], [sflag:$0x4] =	stream.linear.gather [hbm4b:s31+s3], $0x200, $0x38;
	[tilespmem:$0x1D000] =	vst v63  }
0x79: {  	_ =	swait.ge [sflag:s18], $0x200  }
0x7a: {  	[sflag:s18] =	ssyncset.done $0x0  }
0x7b: {  	[sflag:s18] =	ssyncadd.s32 $0xFFFFFE00  }
0x7c: {  	[tilespmem:s21], [sflag:$0x1] =	stream.indirect.gather [hbm4b:s4+s20], $0x10, s3, s20, $0xb8;
	[tilespmem:$0x1D000] =	vst v63  }
0x7d: {  	_ =	swait.ge [sflag:s26], $0x2000  }
0x7e: {  	[sflag:s26] =	ssyncset.done $0x0  }
0x7f: {  	[sflag:s26] =	ssyncadd.s32 $0xFFFFE000  }
0x80: {  	[spmem:s2] =	stream.indirect.scatter.add.f32 [tilespmem:s23], [sflag:$0x3], $0x10, s22, s20, $0xb8;
	[tilespmem:$0x1D000] =	vst v63  }
0x81: {  	_ =	swait.ge [sflag:s25], $0x2000  }
0x82: {  	[sflag:s25] =	ssyncset.done $0x0  }
0x83: {  	[sflag:s25] =	ssyncadd.s32 $0xFFFFE000  }
0x84: {  	[tilespmem:s20], [sflag:$0x4] =	stream.linear.gather [hbm4b:s11+s3], $0x200, $0x38;
	[tilespmem:$0x1D000] =	vst v63  }
0x85: {  	_ =	swait.ge [sflag:s18], $0x200  }
0x86: {  	[sflag:s18] =	ssyncset.done $0x0  }
0x87: {  	[sflag:s18] =	ssyncadd.s32 $0xFFFFFE00  }
0x88: {  	[tilespmem:s22], [sflag:$0x4] =	stream.linear.gather [hbm4b:s12+s3], $0x200, $0x38;
	[tilespmem:$0x1D000] =	vst v63  }
0x89: {  	_ =	swait.ge [sflag:s18], $0x200  }
0x8a: {  	[sflag:s18] =	ssyncset.done $0x0  }
0x8b: {  	[sflag:s18] =	ssyncadd.s32 $0xFFFFFE00  }
0x8c: {  	[tilespmem:s23], [sflag:$0x2] =	stream.indirect.gather [hbm4b:s4+s20], $0x10, s20, s20, $0xb8;
	[tilespmem:$0x1D000] =	vst v63  }
0x8d: {  	_ =	swait.ge [sflag:s24], $0x2000  }
0x8e: {  	[sflag:s24] =	ssyncset.done $0x0  }
0x8f: {  	[sflag:s24] =	ssyncadd.s32 $0xFFFFE000  }
0x90: {  	[spmem:s2] =	stream.indirect.scatter.add.f32 [tilespmem:s21], [sflag:$0x3], $0x10, s19, s20, $0xb8;
	[tilespmem:$0x1D000] =	vst v63  }
0x91: {  	_ =	swait.ge [sflag:s25], $0x2000  }
0x92: {  	[sflag:s25] =	ssyncset.done $0x0  }
0x93: {  	[sflag:s25] =	ssyncadd.s32 $0xFFFFE000  }
0x94: {  	_ =	swait.ge [sflag:s26], $0x2000  }
0x95: {  	[sflag:s26] =	ssyncset.done $0x0  }
0x96: {  	[sflag:s26] =	ssyncadd.s32 $0xFFFFE000  }
0x97: {  	[spmem:s2] =	stream.indirect.scatter.add.f32 [tilespmem:s23], [sflag:$0x3], $0x10, s22, s20, $0xb8;
	[tilespmem:$0x1D000] =	vst v63  }
0x98: {  	_ =	swait.ge [sflag:s25], $0x2000  }
0x99: {  	s28 =	sadd.s32 $0x1, s28;
	[sflag:s25] =	ssyncset.done $0x0  }
0x9a: {  	p0 =	sne.s32 s28, s10;
	[sflag:s25] =	ssyncadd.s32 $0xFFFFE000  }
.Ltmp1:
0x9b: {  	[bflag:$0x0] =	sbarrier.arrive $0xFFFF;
	(pc) =	sbr.rel @p0 .LBB2_1-.Ltmp1, $4  }
0x9c: {  	[hbm:s9], [sflag:s6] =	dma.local [spmem:s17], $0x3100  }
0x9d: {  	_ =	swait.ge [sflag:s18], $0x3100  }
0x9e: {  	[sflag:s18] =	ssyncset.done $0x0  }
0x9f: {  	[sflag:s18] =	ssyncadd.s32 $0xFFFFCF00  }
0xa0: {  	_ =	sfence.sel $0x180000  }
0xa1: {  	[bflag:$0x0] =	sbarrier.arrive $0xFFFF  }
0xa2: {  	_ =	strace $0x9000004A  }
0xa3: {  	s0 =	stileid.u32;
	[bflag:$0x2] =	sbarrier.arrive $0xFFFF  }
0xa4: {  	p0 =	sne.s32 s0, $0x0;
	s0 =	rddreg [dreg:$0x2]  }
0xa5: {  	s0 =	sadd.s32 @!p0 $0x100000, s0  }
0xa6: {  	[sflag:s0] =	ssyncadd.tile.s32 @!p0 $0x1;
	_ =	shalt  }
.Lfunc_end2:
_tile_overlayer_lowered:
.L_overlay_start_2:
0xa7: {  	(tag) =	ssettag $0x2  }
0xa8: {  	s0 =	rddreg [dreg:$0x0];
	s2 =	stileid.u32  }
0xa9: {  	s1 =	rddreg [dreg:$0x1];
	p0 =	sne.s32 s2, $0x0  }
0xaa: {  	s3 =	rddreg [dreg:$0x2];
	[bflag:$0x3] =	sbarrier.arrive $0xFFFF;
	s2 =	simm.s32 @!p0 $0x1C04  }
0xab: {  	[timem:s3], [sflag:s2] =	dma.local @!p0 [hbm:s0], s1  }
0xac: {  	s0 =	simm.s32 @!p0 $0x4  }
0xad: {  	_ =	swait.ge @!p0 [sflag:s0], s1  }
0xae: {  	s1 =	ssub.s32 @!p0 $0x0, s1;
	[sflag:s0] =	ssyncset.done @!p0 $0x0  }
0xaf: {  	[sflag:s0] =	ssyncadd.s32 @!p0 s1  }
0xb0: {  	[bflag:$0x3] =	sbarrier.arrive $0xFFFF  }
0xb1: {  	_ =	shalt  }

// kernel: kernel.14.cloned.1.call-start
scs
__scs_entry_jumppad:
0x0: {  	(pc) =	sbr.rel $0x88, $3  }
0x1: {  	(tag) =	ssettag $0x0;
	lr =	simm.s32 $0x1  }
0x2: {  	[smem:$0x3F9B] =	sst lr;
	_ =	strace $0xD0000000  }
0x3: {  	_ = 	snop  }
0x4: {  	_ = 	snop  }
0x5: {  	_ = 	snop  }
0x6: {  	_ = 	snop  }
0x7: {  	_ = 	snop  }
__scs_overlays_trampoline_lowered:
0x8: {  	[smem:$0x3FAA] =	sst s0  }
0x9: {  	[smem:$0x3FAB] =	sst s1  }
0xa: {  	[smem:$0x3FAC] =	sst s2  }
0xb: {  	[smem:$0x3FAD] =	sst s3  }
0xc: {  	[smem:$0x3FAE] =	sst s4  }
0xd: {  	[smem:$0x3FAF] =	sst s5  }
0xe: {  	[smem:$0x3FB0] =	sst s6  }
0xf: {  	[smem:$0x3FB1] =	sst s7  }
0x10: {  	[smem:$0x3FB2] =	sst s8  }
0x11: {  	[smem:$0x3FB3] =	sst s9;
	s0 =	simm.s32 @!p0 $0x0  }
0x12: {  	s1 =	sld [smem:$0x3F99];
	s0 =	simm.s32 @p0 $0x1  }
0x13: {  	[smem:$0x3FB4] =	sst s0;
	s0 =	simm.s32 @!p1 $0x0  }
0x14: {  	s2 =	sld [smem:$0x3F98];
	s0 =	simm.s32 @p1 $0x1  }
0x15: {  	[smem:$0x3FB5] =	sst s0;
	s0 =	simm.s32 @!p2 $0x0  }
0x16: {  	s3 =	sld [smem:$0x3FDB];
	s0 =	simm.s32 @p2 $0x1  }
0x17: {  	s4 =	simm.s32 $0x1BF5;
	[smem:$0x3FB7] =	sst s0  }
0x18: {  	s0 =	sld [smem:$0x3F9A];
	_ =	swait.ge [sflag:s4], $0x0  }
0x19: {  	s7 =	sld [smem:$0x3F9B]  }
0x1a: {  	s8 =	sadd.s32 $0xFFFFE003, lr  }
0x1b: {  	s9 =	sadd.s32 $0xFFFFFEF7, lr;
	s5 =	simm.s32 $0xFFFFFFFF;
	p2 =	slt.u32 s8, $0xFFFFF086  }
0x1c: {  	p1 =	slt.u32 s9, $0xF7A;
	s5 =	simm.s32 @!p2 $0x0  }
0x1d: {  	s5 =	simm.s32 @p1 $0x1;
	p0 =	seq.s32 s7, s2  }
0x1e: {  	s7 =	smul.u32 @!p0 $0xF7A, s2;
	p2 =	seq.s32 @!p0 s5, $0x0  }
0x1f: {  	s9 =	smul.u32 $0xF7A, s1;
	s8 =	simm.s32 @!p0 $0x1BF5;
	p2 =	por !p2, p0  }
0x20: {  	[sflag:s8] =	ssyncset.s32 @!p0 $0xFFFFF086;
	s6 =	sadd.s32 @!p0 s3, s7;
	s7 =	simm.s32 @!p0 $0x108  }
0x21: {  	s3 =	sadd.s32 s3, s9;
	s6 =	sadd.s32 @!p0 $0x88, s6;
	s7 =	simm.s32 @p2 $0x1082  }
0x22: {  	[simem:s7], [sflag:s8] =	dma.local @!p0 [hbm:s6], $0xF7A  }
0x23: {  	s9 =	sor.u32 $0xD0000000, s2;
	s6 =	simm.s32 $0x108;
	_ =	swait.ge @!p0 [sflag:s8], $0x0  }
0x24: {  	s3 =	sadd.s32 $0x88, s3;
	s6 =	simm.s32 @!p1 $0x1082;
	[sflag:s4] =	ssyncset.s32 $0xFFFFF086  }
0x25: {  	[simem:s6], [sflag:s4] =	dma.local [hbm:s3], $0xF7A  }
0x26: {  	[smem:$0x3F9B] =	sst s1;
	(tag) =	ssettag s2;
	_ =	strace s9  }
0x27: {  	s1 =	sld [smem:$0x3FAB]  }
0x28: {  	s2 =	sld [smem:$0x3FAC]  }
0x29: {  	s4 =	sld [smem:$0x3FAE]  }
0x2a: {  	p0 =	seq.s32 s5, $0x0;
	s5 =	sld [smem:$0x3FAF]  }
0x2b: {  	s6 =	sld [smem:$0x3FB0]  }
0x2c: {  	s7 =	sld [smem:$0x3FB1]  }
0x2d: {  	s3 =	simm.s32 $0x108;
	s8 =	sld [smem:$0x3FB2]  }
0x2e: {  	s3 =	simm.s32 @!p0 $0x1082;
	s9 =	sld [smem:$0x3FB3]  }
0x2f: {  	lr =	sadd.s32 s0, s3;
	s0 =	sld [smem:$0x3FAA]  }
0x30: {  	s3 =	sld [smem:$0x3FAD]  }
0x31: {  	[smem:$0x3FB6] =	sst s10  }
0x32: {  	s10 =	sld [smem:$0x3FB4];
	_ =	sdelay $0x3  }
0x33: {  	p0 =	seq.s32 s10, $0x1;
	s10 =	sld [smem:$0x3FB6];
	_ =	sdelay $0x3  }
0x34: {  	[smem:$0x3FB6] =	sst s10  }
0x35: {  	s10 =	sld [smem:$0x3FB5];
	_ =	sdelay $0x3  }
0x36: {  	p1 =	seq.s32 s10, $0x1;
	s10 =	sld [smem:$0x3FB6];
	_ =	sdelay $0x3  }
0x37: {  	[smem:$0x3FB6] =	sst s10  }
0x38: {  	s10 =	sld [smem:$0x3FB7]  }
0x39: {  	_ = 	snop;
	(pc) =	sbr.ind lr, $3  }
0x3a: {  	_ = 	snop  }
0x3b: {  	_ = 	snop  }
0x3c: {  	p2 =	seq.s32 s10, $0x1;
	s10 =	sld [smem:$0x3FB6]  }
0x3d: {  	_ =	shalt  }
0x3e: {  	_ =	shalt  }
0x3f: {  	_ =	shalt  }
0x40: {  	_ =	shalt  }
0x41: {  	_ =	shalt  }
0x42: {  	_ =	shalt  }
0x43: {  	_ =	shalt  }
0x44: {  	_ =	shalt  }
0x45: {  	_ =	shalt  }
0x46: {  	_ =	shalt  }
0x47: {  	_ =	shalt  }
0x48: {  	_ =	shalt  }
0x49: {  	_ =	shalt  }
0x4a: {  	_ =	shalt  }
0x4b: {  	_ =	shalt  }
0x4c: {  	_ =	shalt  }
0x4d: {  	_ =	shalt  }
0x4e: {  	_ =	shalt  }
0x4f: {  	_ =	shalt  }
0x50: {  	_ =	shalt  }
0x51: {  	_ =	shalt  }
0x52: {  	_ =	shalt  }
0x53: {  	_ =	shalt  }
0x54: {  	_ =	shalt  }
0x55: {  	_ =	shalt  }
0x56: {  	_ =	shalt  }
0x57: {  	_ =	shalt  }
0x58: {  	_ =	shalt  }
0x59: {  	_ =	shalt  }
0x5a: {  	_ =	shalt  }
0x5b: {  	_ =	shalt  }
0x5c: {  	_ =	shalt  }
0x5d: {  	_ =	shalt  }
0x5e: {  	_ =	shalt  }
0x5f: {  	_ =	shalt  }
0x60: {  	_ =	shalt  }
0x61: {  	_ =	shalt  }
0x62: {  	_ =	shalt  }
0x63: {  	_ =	shalt  }
0x64: {  	_ =	shalt  }
0x65: {  	_ =	shalt  }
0x66: {  	_ =	shalt  }
0x67: {  	_ =	shalt  }
0x68: {  	_ =	shalt  }
0x69: {  	_ =	shalt  }
0x6a: {  	_ =	shalt  }
0x6b: {  	_ =	shalt  }
0x6c: {  	_ =	shalt  }
0x6d: {  	_ =	shalt  }
0x6e: {  	_ =	shalt  }
0x6f: {  	_ =	shalt  }
0x70: {  	_ =	shalt  }
0x71: {  	_ =	shalt  }
0x72: {  	_ =	shalt  }
0x73: {  	_ =	shalt  }
0x74: {  	_ =	shalt  }
0x75: {  	_ =	shalt  }
0x76: {  	_ =	shalt  }
0x77: {  	_ =	shalt  }
0x78: {  	_ =	shalt  }
0x79: {  	_ =	shalt  }
0x7a: {  	_ =	shalt  }
0x7b: {  	_ =	shalt  }
0x7c: {  	_ =	shalt  }
0x7d: {  	_ =	shalt  }
0x7e: {  	_ =	shalt  }
0x7f: {  	_ =	shalt  }
0x80: {  	_ =	shalt  }
0x81: {  	_ =	shalt  }
0x82: {  	_ =	shalt  }
0x83: {  	_ =	shalt  }
0x84: {  	_ =	shalt  }
0x85: {  	_ =	shalt  }
0x86: {  	_ =	shalt  }
0x87: {  	_ =	shalt  }
.Lfunc_end0:
.L_simem_size_0:
called_computation.2_lowered:
.L_overlay_start_0:
0x88: {  	s2 =	sld [smem:$0x3FD9]  }
0x89: {  	s3 =	sld [smem:$0x3FFE];
	_ =	sdelay $0x1  }
0x8a: {  	s1 =	srdreg.scid  }
0x8b: {  	s0 =	sand.u32 $0x1, s1  }
0x8c: {  	s16 =	sshll.u32 s0, $0xA;
	s2 =	sadd.s32 s3, s2  }
0x8d: {  	s2 =	sadd.s32 s2, s16  }
0x8e: {  	[smem:$0x3FC2] =	sst s2  }
0x8f: {  	_ = 	snop  }
0x90: {  	(tm) =	ssettm $0x1  }
0x91: {  	s17 =	sld [smem:$0x3FFB];
	_ =	sdelay $0x3  }
0x92: {  	_ =	strace s17  }
0x93: {  	s2 =	sld [smem:$0x3FFC];
	_ =	sdelay $0x3  }
0x94: {  	_ =	strace s2  }
0x95: {  	s2 =	sld [smem:$0x3FFD];
	_ =	sdelay $0x3  }
0x96: {  	_ =	strace s2  }
0x97: {  	_ =	strace $0x8FFFFFFF  }
0x98: {  	s18 =	sld [smem:$0x3FDB];
	_ =	sdelay $0x1  }
0x99: {  	s19 =	simm.s32 $_scs_section_size  }
0x9a: {  	s4 =	simm.s32 $_size__tile_overlayer_lowered;
	s5 =	simm.s32 $_tile_overlayer_lowered  }
0x9b: {  	s22 =	simm.s32 $0x1BFF;
	s21 =	sshll.u32 s5, $0x1;
	s2 =	sadd.s32 s19, s18  }
0x9c: {  	s6 =	simm.s32 $0x0;
	s20 =	sshll.u32 s4, $0x1;
	s4 =	sadd.s32 s21, s2  }
0x9d: {  	[timem:s6], [sflag:s22] =	dma.local [hbm:s4], s20  }
0x9e: {  	_ =	swait.ge [sflag:s22], s20  }
0x9f: {  	s3 =	ssub.s32 $0x0, s20;
	[sflag:s22] =	ssyncset.done $0x0  }
0xa0: {  	[sflag:s22] =	ssyncadd.s32 s3;
	_ =	sdelay $0x1  }
0xa1: {  	s23 =	simm.s32 $0x1B8B  }
0xa2: {  	_ =	swait.ge [sflag:s23], $0x1  }
0xa3: {  	[sflag:s23] =	ssyncset.done $0x0  }
0xa4: {  	s25 =	simm.s32 $0x1B8E;
	s24 =	sld [smem:$0x3FFE];
	[sflag:s23] =	ssyncadd.s32 $0xFFFFFFFF  }
0xa5: {  	s26 =	simm.s32 $execute0_lowered;
	[smem:$0x3FD2] =	sst s25  }
0xa6: {  	s4 =	sshll.u32 s26, $0x1;
	_ =	strace $0x8000004C;
	[dreg:$0x1] =	wrdreg $0xFFFFFFFF  }
0xa7: {  	s28 =	simm.s32 $_size_execute0_lowered;
	s2 =	sadd.s32 s2, s4;
	[dreg:$0x0] =	wrdreg $0x0  }
0xa8: {  	s4 =	sshll.u32 s28, $0x1;
	[dreg:$0x2] =	wrdreg s2  }
0xa9: {  	[dreg:$0x3] =	wrdreg s4  }
0xaa: {  	[dreg:$0x4] =	wrdreg $0xC0  }
0xab: {  	_ =	task [dreg:s6], $0x5FFFF  }
0xac: {  	[dreg:$0x1] =	wrdreg $0xFFFFFFFF  }
0xad: {  	[dreg:$0x0] =	wrdreg $0x60  }
0xae: {  	[dreg:$0x2] =	wrdreg s24  }
0xaf: {  	[dreg:$0x3] =	wrdreg $0x50000  }
0xb0: {  	[dreg:$0x4] =	wrdreg $0x9  }
0xb1: {  	_ =	task.clear_ibuf [dreg:s6], $0x5FFFF;
	_ =	strace $0x9000004C  }
0xb2: {  	s29 =	simm.s32 $0x9;
	_ =	strace $0x8000004E  }
0xb3: {  	_ =	swait.ge [sflag:s29], $0x1  }
0xb4: {  	[sflag:s29] =	ssyncadd.s32 $0xFFFFFFFF  }
0xb5: {  	_ =	strace $0x9000004E  }
0xb6: {  	_ =	sfence  }
0xb7: {  	s30 =	sld [smem:$0x0];
	_ =	sdelay $0x2  }
0xb8: {  	s31 =	sshll.u32 s1, $0xD;
	s1 =	sshrl.u32 s1, $0x2  }
0xb9: {  	s3 =	sand.u32 $0x4000, s31;
	s1 =	sadd.s32 s1, s30  }
0xba: {  	s0 =	sor.u32 s3, s0;
	s1 =	sshll.u32 s1, $0x11  }
0xbb: {  	s0 =	sor.u32 s1, s0  }
0xbc: {  	s0 =	sadd.s32 $0x8F2B, s0  }
0xbd: {  	[sflag:s0] =	ssyncadd.remote.s32 $0x1  }
0xbe: {  	_ =	sfence.sel $0xFFFF  }
0xbf: {  	[dreg:$0x0] =	wrdreg $0xFFFFFFFF;
	(pc) =	sbr.abs _section_cstart, $3  }
0xc0: {  	[dreg:$0x1] =	wrdreg $0xFFFFFFFF  }
0xc1: {  	_ =	task.clear_ibuf [dreg:s6], $0x2FFFF;
	_ =	strace $0x9FFFFFFF  }
0xc2: {  	(tm) =	ssettm $0x7FFFFFFF  }
0xc3: {  	_ =	shalt  }
tec
execute0_lowered:
.L_overlay_start_1:
0x0: {  	(tag) =	ssettag $0x1  }
0x1: {  	s0 =	rddreg [dreg:$0x0]  }
0x2: {  	s2 =	rddreg [dreg:$0x1];
	s3 =	simm.s32 $0x0  }
0x3: {  	s13 =	stileid.u32;
	s5 =	srdreg.scid;
	s19 =	simm.s32 $0x4  }
0x4: {  	s20 =	simm.s32 $0x800;
	s21 =	simm.s32 $0x400;
	s28 =	simm.s32 $0x2  }
0x5: {  	s29 =	simm.s32 $0x0;
	[smem:$0x7FF] =	sst s3;
	s1 =	smul.u32 $0x18800, s13  }
0x6: {  	s4 =	sadd.s32 $0x2000, s0;
	s7 =	sand.u32 $0x1, s5;
	s5 =	sadd.s32 $0xC6000, s0  }
0x7: {  	s6 =	sadd.s32 $0x128000, s0;
	s25 =	sshll.u32 s13, $0x6;
	_ =	strace $0x8000004D  }
0x8: {  	s9 =	smul.u32 $0x188000, s7;
	s10 =	sshll.u32 s7, $0x4;
	s7 =	ssub.s32 $0x2, s7  }
0x9: {  	s8 =	sshrl.u32 s1, $0x3;
	s22 =	sor.u32 s13, s10;
	s11 =	sshrl.u32 s7, $0x1  }
0xa: {  	s8 =	sadd.s32 s8, s0;
	s15 =	sadd.s32 s1, s9;
	s9 =	smul.u32 $0x18800, s22  }
0xb: {  	s12 =	ssub.s32 s7, s11;
	s1 =	sadd.s32 s1, s2;
	s22 =	simm.s32 $0x1000  }
0xc: {  	s23 =	sshrl.u32 s15, $0x3;
	s24 =	sadd.s32 $0x18A000, s8;
	s8 =	sor.u32 $0x1C04, s25  }
0xd: {  	s14 =	sor.u32 $0x400, s15;
	s12 =	smax.u32 s12, $0x1;
	s15 =	sadd.s32 $0x800, s15  }
0xe: {  	s18 =	sshrl.u32 s1, $0x3;
	s25 =	simm.s32 $0x1;
	s0 =	sadd.s32 s23, s0  }
0xf: {  	[dreg:$0x3] =	wrdreg s24;
	s26 =	sshrl.u32 s9, $0x3;
	s17 =	sshrl.u32 s14, $0x3  }
0x10: {  	s23 =	simm.s32 $0xC00;
	s24 =	simm.s32 $0x3000;
	s30 =	sadd.s32 s5, s26  }
0x11: {  	s10 =	sadd.s32 s6, s26;
	s11 =	sadd.s32 $0x33000, s0;
	s31 =	sadd.s32 $0x3080, s26  }
0x12: {  	s16 =	sadd.s32 s17, s6;
	s17 =	sadd.s32 s17, s5;
	s26 =	simm.s32 $0x3  }
0x13: {  	[dreg:$0x4] =	wrdreg s30;
	s13 =	sadd.s32 s5, s31;
	s14 =	sadd.s32 s6, s31  }
.LBB2_1:
0x14: {  	s0 =	rddreg [dreg:$0x3]  }
0x15: {  	[spmem:s18], [sflag:s8] =	dma.local [hbm:s0], $0x3100  }
0x16: {  	_ =	swait.ge [sflag:s19], $0x3100  }
0x17: {  	[sflag:s19] =	ssyncset.done $0x0  }
0x18: {  	[sflag:s19] =	ssyncadd.s32 $0xFFFFCF00  }
0x19: {  	[bflag:$0x0] =	sbarrier.arrive $0xFFFF  }
0x1a: {  	s9 =	rddreg [dreg:$0x4]  }
0x1b: {  	[tilespmem:s3], [sflag:$0x4] =	stream.linear.gather [hbm4b:s9+s3], $0x400, $0x38;
	[tilespmem:$0x1D800] =	vst v63  }
0x1c: {  	_ =	swait.ge [sflag:s19], $0x400  }
0x1d: {  	[sflag:s19] =	ssyncset.done $0x0  }
0x1e: {  	[sflag:s19] =	ssyncadd.s32 $0xFFFFFC00  }
0x1f: {  	[tilespmem:s20], [sflag:$0x4] =	stream.linear.gather [hbm4b:s10+s3], $0x400, $0x38;
	[tilespmem:$0x1D800] =	vst v63  }
0x20: {  	_ =	swait.ge [sflag:s19], $0x400  }
0x21: {  	[sflag:s19] =	ssyncset.done $0x0  }
0x22: {  	[sflag:s19] =	ssyncadd.s32 $0xFFFFFC00  }
0x23: {  	[tilespmem:s22], [sflag:$0x1] =	stream.indirect.gather [hbm4b:s4+s21], $0x8, s3, s21, $0xb8;
	[tilespmem:$0x1D800] =	vst v63  }
0x24: {  	s1 =	sadd.s32 $0x0, s17  }
0x25: {  	[tilespmem:s21], [sflag:$0x4] =	stream.linear.gather [hbm4b:s1+s3], $0x400, $0x38;
	[tilespmem:$0x1D800] =	vst v63  }
0x26: {  	_ =	swait.ge [sflag:s19], $0x400  }
0x27: {  	[sflag:s19] =	ssyncset.done $0x0  }
0x28: {  	s7 =	sadd.s32 $0x0, s16;
	[sflag:s19] =	ssyncadd.s32 $0xFFFFFC00  }
0x29: {  	[tilespmem:s23], [sflag:$0x4] =	stream.linear.gather [hbm4b:s7+s3], $0x400, $0x38;
	[tilespmem:$0x1D800] =	vst v63  }
0x2a: {  	_ =	swait.ge [sflag:s19], $0x400  }
0x2b: {  	[sflag:s19] =	ssyncset.done $0x0  }
0x2c: {  	[sflag:s19] =	ssyncadd.s32 $0xFFFFFC00  }
0x2d: {  	[tilespmem:s24], [sflag:$0x2] =	stream.indirect.gather [hbm4b:s4+s21], $0x8, s21, s21, $0xb8;
	[tilespmem:$0x1D800] =	vst v63  }
0x2e: {  	_ =	swait.ge [sflag:s25], $0x2000  }
0x2f: {  	[sflag:s25] =	ssyncset.done $0x0  }
0x30: {  	[sflag:s25] =	ssyncadd.s32 $0xFFFFE000  }
0x31: {  	[spmem:s2] =	stream.indirect.scatter.add.f32 [tilespmem:s22], [sflag:$0x3], $0x8, s20, s21, $0xb8;
	[tilespmem:$0x1D800] =	vst v63  }
0x32: {  	_ =	swait.ge [sflag:s26], $0x2000  }
0x33: {  	s9 =	sshrl.u32 s15, $0x3;
	[sflag:s26] =	ssyncset.done $0x0  }
0x34: {  	s1 =	sadd.s32 s5, s9;
	[sflag:s26] =	ssyncadd.s32 $0xFFFFE000  }
0x35: {  	[tilespmem:s3], [sflag:$0x4] =	stream.linear.gather [hbm4b:s1+s3], $0x400, $0x38;
	[tilespmem:$0x1D800] =	vst v63  }
0x36: {  	_ =	swait.ge [sflag:s19], $0x400  }
0x37: {  	[sflag:s19] =	ssyncset.done $0x0  }
0x38: {  	s0 =	sadd.s32 s6, s9;
	[sflag:s19] =	ssyncadd.s32 $0xFFFFFC00  }
0x39: {  	[tilespmem:s20], [sflag:$0x4] =	stream.linear.gather [hbm4b:s0+s3], $0x400, $0x38;
	[tilespmem:$0x1D800] =	vst v63  }
0x3a: {  	_ =	swait.ge [sflag:s19], $0x400  }
0x3b: {  	[sflag:s19] =	ssyncset.done $0x0  }
0x3c: {  	[sflag:s19] =	ssyncadd.s32 $0xFFFFFC00  }
0x3d: {  	[tilespmem:s22], [sflag:$0x1] =	stream.indirect.gather [hbm4b:s4+s21], $0x8, s3, s21, $0xb8;
	[tilespmem:$0x1D800] =	vst v63  }
0x3e: {  	_ =	swait.ge [sflag:s28], $0x2000  }
0x3f: {  	[sflag:s28] =	ssyncset.done $0x0  }
0x40: {  	[sflag:s28] =	ssyncadd.s32 $0xFFFFE000  }
0x41: {  	[spmem:s2] =	stream.indirect.scatter.add.f32 [tilespmem:s24], [sflag:$0x3], $0x8, s23, s21, $0xb8;
	[tilespmem:$0x1D800] =	vst v63  }
0x42: {  	s31 =	simm.s32 $0x100;
	_ =	swait.ge [sflag:s26], $0x2000  }
0x43: {  	s30 =	sadd.s32 $0x800, s15;
	s0 =	simm.s32 $0x200;
	[sflag:s26] =	ssyncset.done $0x0  }
.LBB2_2:
0x44: {  	s7 =	sadd.s32 s31, s17  }
0x45: {  	[sflag:s26] =	ssyncadd.s32 $0xFFFFE000;
	s9 =	smov.u32 s0;
	s1 =	sadd.s32 $0x100, s0  }
0x46: {  	[tilespmem:s21], [sflag:$0x4] =	stream.linear.gather [hbm4b:s7+s3], $0x400, $0x38;
	[tilespmem:$0x1D800] =	vst v63  }
0x47: {  	p0 =	sne.s32 s0, $0x2F00;
	_ =	swait.ge [sflag:s19], $0x400  }
0x48: {  	[sflag:s19] =	ssyncset.done $0x0  }
0x49: {  	s0 =	sadd.s32 s31, s16;
	s31 =	smov.u32 s9;
	[sflag:s19] =	ssyncadd.s32 $0xFFFFFC00  }
0x4a: {  	[tilespmem:s23], [sflag:$0x4] =	stream.linear.gather [hbm4b:s0+s3], $0x400, $0x38;
	[tilespmem:$0x1D800] =	vst v63  }
0x4b: {  	_ =	swait.ge [sflag:s19], $0x400  }
0x4c: {  	[sflag:s19] =	ssyncset.done $0x0  }
0x4d: {  	[sflag:s19] =	ssyncadd.s32 $0xFFFFFC00  }
0x4e: {  	[tilespmem:s24], [sflag:$0x2] =	stream.indirect.gather [hbm4b:s4+s21], $0x8, s21, s21, $0xb8;
	[tilespmem:$0x1D800] =	vst v63  }
0x4f: {  	_ =	swait.ge [sflag:s25], $0x2000  }
0x50: {  	[sflag:s25] =	ssyncset.done $0x0  }
0x51: {  	[sflag:s25] =	ssyncadd.s32 $0xFFFFE000  }
0x52: {  	[spmem:s2] =	stream.indirect.scatter.add.f32 [tilespmem:s22], [sflag:$0x3], $0x8, s20, s21, $0xb8;
	[tilespmem:$0x1D800] =	vst v63  }
0x53: {  	_ =	swait.ge [sflag:s26], $0x2000  }
0x54: {  	s0 =	sshrl.u32 s30, $0x3;
	[sflag:s26] =	ssyncset.done $0x0  }
0x55: {  	s7 =	sadd.s32 s5, s0;
	[sflag:s26] =	ssyncadd.s32 $0xFFFFE000  }
0x56: {  	[tilespmem:s3], [sflag:$0x4] =	stream.linear.gather [hbm4b:s7+s3], $0x400, $0x38;
	[tilespmem:$0x1D800] =	vst v63  }
0x57: {  	_ =	swait.ge [sflag:s19], $0x400  }
0x58: {  	[sflag:s19] =	ssyncset.done $0x0  }
0x59: {  	s0 =	sadd.s32 s6, s0;
	[sflag:s19] =	ssyncadd.s32 $0xFFFFFC00  }
0x5a: {  	[tilespmem:s20], [sflag:$0x4] =	stream.linear.gather [hbm4b:s0+s3], $0x400, $0x38;
	[tilespmem:$0x1D800] =	vst v63  }
0x5b: {  	_ =	swait.ge [sflag:s19], $0x400  }
0x5c: {  	[sflag:s19] =	ssyncset.done $0x0  }
0x5d: {  	[sflag:s19] =	ssyncadd.s32 $0xFFFFFC00  }
0x5e: {  	[tilespmem:s22], [sflag:$0x1] =	stream.indirect.gather [hbm4b:s4+s21], $0x8, s3, s21, $0xb8;
	[tilespmem:$0x1D800] =	vst v63  }
0x5f: {  	_ =	swait.ge [sflag:s28], $0x2000  }
.Ltmp0:
0x60: {  	[sflag:s28] =	ssyncset.done $0x0;
	(pc) =	sbr.rel @p0 .LBB2_2-.Ltmp0, $4  }
0x61: {  	[sflag:s28] =	ssyncadd.s32 $0xFFFFE000  }
0x62: {  	[spmem:s2] =	stream.indirect.scatter.add.f32 [tilespmem:s24], [sflag:$0x3], $0x8, s23, s21, $0xb8;
	[tilespmem:$0x1D800] =	vst v63  }
0x63: {  	_ =	swait.ge [sflag:s26], $0x2000  }
0x64: {  	s30 =	sadd.s32 $0x800, s30;
	s0 =	smov.u32 s1;
	[sflag:s26] =	ssyncset.done $0x0  }
0x65: {  	s0 =	sadd.s32 s31, s17;
	[sflag:s26] =	ssyncadd.s32 $0xFFFFE000  }
0x66: {  	[tilespmem:s21], [sflag:$0x4] =	stream.linear.gather [hbm4b:s0+s3], $0x400, $0x38;
	[tilespmem:$0x1D800] =	vst v63  }
0x67: {  	_ =	swait.ge [sflag:s19], $0x400  }
0x68: {  	[sflag:s19] =	ssyncset.done $0x0  }
0x69: {  	s9 =	sadd.s32 s31, s16;
	[sflag:s19] =	ssyncadd.s32 $0xFFFFFC00  }
0x6a: {  	[tilespmem:s23], [sflag:$0x4] =	stream.linear.gather [hbm4b:s9+s3], $0x400, $0x38;
	[tilespmem:$0x1D800] =	vst v63  }
0x6b: {  	_ =	swait.ge [sflag:s19], $0x400  }
0x6c: {  	[sflag:s19] =	ssyncset.done $0x0  }
0x6d: {  	[sflag:s19] =	ssyncadd.s32 $0xFFFFFC00  }
0x6e: {  	[tilespmem:s24], [sflag:$0x2] =	stream.indirect.gather [hbm4b:s4+s21], $0x8, s21, s21, $0xb8;
	[tilespmem:$0x1D800] =	vst v63  }
0x6f: {  	_ =	swait.ge [sflag:s25], $0x2000  }
0x70: {  	[sflag:s25] =	ssyncset.done $0x0  }
0x71: {  	[sflag:s25] =	ssyncadd.s32 $0xFFFFE000  }
0x72: {  	[spmem:s2] =	stream.indirect.scatter.add.f32 [tilespmem:s22], [sflag:$0x3], $0x8, s20, s21, $0xb8;
	[tilespmem:$0x1D800] =	vst v63  }
0x73: {  	_ =	swait.ge [sflag:s26], $0x2000  }
0x74: {  	s31 =	sshrl.u32 s30, $0x3;
	[sflag:s26] =	ssyncset.done $0x0  }
0x75: {  	s1 =	sadd.s32 s5, s31;
	[sflag:s26] =	ssyncadd.s32 $0xFFFFE000  }
0x76: {  	[tilespmem:s3], [sflag:$0x4] =	stream.linear.gather [hbm4b:s1+s3], $0x400, $0x38;
	[tilespmem:$0x1D800] =	vst v63  }
0x77: {  	_ =	swait.ge [sflag:s19], $0x400  }
0x78: {  	[sflag:s19] =	ssyncset.done $0x0  }
0x79: {  	s0 =	sadd.s32 s6, s31;
	[sflag:s19] =	ssyncadd.s32 $0xFFFFFC00  }
0x7a: {  	[tilespmem:s20], [sflag:$0x4] =	stream.linear.gather [hbm4b:s0+s3], $0x400, $0x38;
	[tilespmem:$0x1D800] =	vst v63  }
0x7b: {  	_ =	swait.ge [sflag:s19], $0x400  }
0x7c: {  	[sflag:s19] =	ssyncset.done $0x0  }
0x7d: {  	[sflag:s19] =	ssyncadd.s32 $0xFFFFFC00  }
0x7e: {  	[tilespmem:s22], [sflag:$0x1] =	stream.indirect.gather [hbm4b:s4+s21], $0x8, s3, s21, $0xb8;
	[tilespmem:$0x1D800] =	vst v63  }
0x7f: {  	_ =	swait.ge [sflag:s28], $0x2000  }
0x80: {  	[sflag:s28] =	ssyncset.done $0x0  }
0x81: {  	[sflag:s28] =	ssyncadd.s32 $0xFFFFE000  }
0x82: {  	[spmem:s2] =	stream.indirect.scatter.add.f32 [tilespmem:s24], [sflag:$0x3], $0x8, s23, s21, $0xb8;
	[tilespmem:$0x1D800] =	vst v63  }
0x83: {  	_ =	swait.ge [sflag:s26], $0x2000  }
0x84: {  	[sflag:s26] =	ssyncset.done $0x0  }
0x85: {  	[sflag:s26] =	ssyncadd.s32 $0xFFFFE000  }
0x86: {  	[tilespmem:s21], [sflag:$0x4] =	stream.linear.gather [hbm4b:s13+s3], $0x400, $0x38;
	[tilespmem:$0x1D800] =	vst v63  }
0x87: {  	_ =	swait.ge [sflag:s19], $0x400  }
0x88: {  	[sflag:s19] =	ssyncset.done $0x0  }
0x89: {  	[sflag:s19] =	ssyncadd.s32 $0xFFFFFC00  }
0x8a: {  	[tilespmem:s23], [sflag:$0x4] =	stream.linear.gather [hbm4b:s14+s3], $0x400, $0x38;
	[tilespmem:$0x1D800] =	vst v63  }
0x8b: {  	_ =	swait.ge [sflag:s19], $0x400  }
0x8c: {  	[sflag:s19] =	ssyncset.done $0x0  }
0x8d: {  	[sflag:s19] =	ssyncadd.s32 $0xFFFFFC00  }
0x8e: {  	[tilespmem:s24], [sflag:$0x2] =	stream.indirect.gather [hbm4b:s4+s21], $0x8, s21, s21, $0xb8;
	[tilespmem:$0x1D800] =	vst v63  }
0x8f: {  	_ =	swait.ge [sflag:s25], $0x2000  }
0x90: {  	[sflag:s25] =	ssyncset.done $0x0  }
0x91: {  	[sflag:s25] =	ssyncadd.s32 $0xFFFFE000  }
0x92: {  	[spmem:s2] =	stream.indirect.scatter.add.f32 [tilespmem:s22], [sflag:$0x3], $0x8, s20, s21, $0xb8;
	[tilespmem:$0x1D800] =	vst v63  }
0x93: {  	_ =	swait.ge [sflag:s26], $0x2000  }
0x94: {  	[sflag:s26] =	ssyncset.done $0x0  }
0x95: {  	[sflag:s26] =	ssyncadd.s32 $0xFFFFE000  }
0x96: {  	_ =	swait.ge [sflag:s28], $0x2000  }
0x97: {  	[sflag:s28] =	ssyncset.done $0x0  }
0x98: {  	[sflag:s28] =	ssyncadd.s32 $0xFFFFE000  }
0x99: {  	[spmem:s2] =	stream.indirect.scatter.add.f32 [tilespmem:s24], [sflag:$0x3], $0x8, s23, s21, $0xb8;
	[tilespmem:$0x1D800] =	vst v63  }
0x9a: {  	_ =	swait.ge [sflag:s26], $0x2000  }
0x9b: {  	s29 =	sadd.s32 $0x1, s29;
	[sflag:s26] =	ssyncset.done $0x0  }
0x9c: {  	p0 =	sne.s32 s29, s12;
	[sflag:s26] =	ssyncadd.s32 $0xFFFFE000  }
.Ltmp1:
0x9d: {  	[bflag:$0x0] =	sbarrier.arrive $0xFFFF;
	(pc) =	sbr.rel @p0 .LBB2_1-.Ltmp1, $4  }
0x9e: {  	[hbm:s11], [sflag:s8] =	dma.local [spmem:s18], $0x3100  }
0x9f: {  	_ =	swait.ge [sflag:s19], $0x3100  }
0xa0: {  	[sflag:s19] =	ssyncset.done $0x0  }
0xa1: {  	[sflag:s19] =	ssyncadd.s32 $0xFFFFCF00  }
0xa2: {  	_ =	sfence.sel $0x180000  }
0xa3: {  	[bflag:$0x0] =	sbarrier.arrive $0xFFFF  }
0xa4: {  	_ =	strace $0x9000004D  }
0xa5: {  	s0 =	stileid.u32;
	[bflag:$0x2] =	sbarrier.arrive $0xFFFF  }
0xa6: {  	p0 =	sne.s32 s0, $0x0;
	s0 =	rddreg [dreg:$0x2]  }
0xa7: {  	s0 =	sadd.s32 @!p0 $0x100000, s0  }
0xa8: {  	[sflag:s0] =	ssyncadd.tile.s32 @!p0 $0x1;
	_ =	shalt  }
.Lfunc_end2:
_tile_overlayer_lowered:
.L_overlay_start_2:
0xa9: {  	(tag) =	ssettag $0x2  }
0xaa: {  	s0 =	rddreg [dreg:$0x0];
	s2 =	stileid.u32  }
0xab: {  	s1 =	rddreg [dreg:$0x1];
	p0 =	sne.s32 s2, $0x0  }
0xac: {  	s3 =	rddreg [dreg:$0x2];
	[bflag:$0x3] =	sbarrier.arrive $0xFFFF;
	s2 =	simm.s32 @!p0 $0x1C04  }
0xad: {  	[timem:s3], [sflag:s2] =	dma.local @!p0 [hbm:s0], s1  }
0xae: {  	s0 =	simm.s32 @!p0 $0x4  }
0xaf: {  	_ =	swait.ge @!p0 [sflag:s0], s1  }
0xb0: {  	s1 =	ssub.s32 @!p0 $0x0, s1;
	[sflag:s0] =	ssyncset.done @!p0 $0x0  }
0xb1: {  	[sflag:s0] =	ssyncadd.s32 @!p0 s1  }
0xb2: {  	[bflag:$0x3] =	sbarrier.arrive $0xFFFF  }
0xb3: {  	_ =	shalt  }

// kernel: kernel.8.cloned.1.call-start
scs
__scs_entry_jumppad:
0x0: {  	(pc) =	sbr.rel $0x88, $3  }
0x1: {  	(tag) =	ssettag $0x0;
	lr =	simm.s32 $0x1  }
0x2: {  	[smem:$0x3F9B] =	sst lr;
	_ =	strace $0xD0000000  }
0x3: {  	_ = 	snop  }
0x4: {  	_ = 	snop  }
0x5: {  	_ = 	snop  }
0x6: {  	_ = 	snop  }
0x7: {  	_ = 	snop  }
__scs_overlays_trampoline_lowered:
0x8: {  	[smem:$0x3FAA] =	sst s0  }
0x9: {  	[smem:$0x3FAB] =	sst s1  }
0xa: {  	[smem:$0x3FAC] =	sst s2  }
0xb: {  	[smem:$0x3FAD] =	sst s3  }
0xc: {  	[smem:$0x3FAE] =	sst s4  }
0xd: {  	[smem:$0x3FAF] =	sst s5  }
0xe: {  	[smem:$0x3FB0] =	sst s6  }
0xf: {  	[smem:$0x3FB1] =	sst s7  }
0x10: {  	[smem:$0x3FB2] =	sst s8  }
0x11: {  	[smem:$0x3FB3] =	sst s9;
	s0 =	simm.s32 @!p0 $0x0  }
0x12: {  	s1 =	sld [smem:$0x3F99];
	s0 =	simm.s32 @p0 $0x1  }
0x13: {  	[smem:$0x3FB4] =	sst s0;
	s0 =	simm.s32 @!p1 $0x0  }
0x14: {  	s2 =	sld [smem:$0x3F98];
	s0 =	simm.s32 @p1 $0x1  }
0x15: {  	[smem:$0x3FB5] =	sst s0;
	s0 =	simm.s32 @!p2 $0x0  }
0x16: {  	s3 =	sld [smem:$0x3FDB];
	s0 =	simm.s32 @p2 $0x1  }
0x17: {  	s4 =	simm.s32 $0x1BF5;
	[smem:$0x3FB7] =	sst s0  }
0x18: {  	s0 =	sld [smem:$0x3F9A];
	_ =	swait.ge [sflag:s4], $0x0  }
0x19: {  	s7 =	sld [smem:$0x3F9B]  }
0x1a: {  	s8 =	sadd.s32 $0xFFFFE003, lr  }
0x1b: {  	s9 =	sadd.s32 $0xFFFFFEF7, lr;
	s5 =	simm.s32 $0xFFFFFFFF;
	p2 =	slt.u32 s8, $0xFFFFF086  }
0x1c: {  	p1 =	slt.u32 s9, $0xF7A;
	s5 =	simm.s32 @!p2 $0x0  }
0x1d: {  	s5 =	simm.s32 @p1 $0x1;
	p0 =	seq.s32 s7, s2  }
0x1e: {  	s7 =	smul.u32 @!p0 $0xF7A, s2;
	p2 =	seq.s32 @!p0 s5, $0x0  }
0x1f: {  	s9 =	smul.u32 $0xF7A, s1;
	s8 =	simm.s32 @!p0 $0x1BF5;
	p2 =	por !p2, p0  }
0x20: {  	[sflag:s8] =	ssyncset.s32 @!p0 $0xFFFFF086;
	s6 =	sadd.s32 @!p0 s3, s7;
	s7 =	simm.s32 @!p0 $0x108  }
0x21: {  	s3 =	sadd.s32 s3, s9;
	s6 =	sadd.s32 @!p0 $0x88, s6;
	s7 =	simm.s32 @p2 $0x1082  }
0x22: {  	[simem:s7], [sflag:s8] =	dma.local @!p0 [hbm:s6], $0xF7A  }
0x23: {  	s9 =	sor.u32 $0xD0000000, s2;
	s6 =	simm.s32 $0x108;
	_ =	swait.ge @!p0 [sflag:s8], $0x0  }
0x24: {  	s3 =	sadd.s32 $0x88, s3;
	s6 =	simm.s32 @!p1 $0x1082;
	[sflag:s4] =	ssyncset.s32 $0xFFFFF086  }
0x25: {  	[simem:s6], [sflag:s4] =	dma.local [hbm:s3], $0xF7A  }
0x26: {  	[smem:$0x3F9B] =	sst s1;
	(tag) =	ssettag s2;
	_ =	strace s9  }
0x27: {  	s1 =	sld [smem:$0x3FAB]  }
0x28: {  	s2 =	sld [smem:$0x3FAC]  }
0x29: {  	s4 =	sld [smem:$0x3FAE]  }
0x2a: {  	p0 =	seq.s32 s5, $0x0;
	s5 =	sld [smem:$0x3FAF]  }
0x2b: {  	s6 =	sld [smem:$0x3FB0]  }
0x2c: {  	s7 =	sld [smem:$0x3FB1]  }
0x2d: {  	s3 =	simm.s32 $0x108;
	s8 =	sld [smem:$0x3FB2]  }
0x2e: {  	s3 =	simm.s32 @!p0 $0x1082;
	s9 =	sld [smem:$0x3FB3]  }
0x2f: {  	lr =	sadd.s32 s0, s3;
	s0 =	sld [smem:$0x3FAA]  }
0x30: {  	s3 =	sld [smem:$0x3FAD]  }
0x31: {  	[smem:$0x3FB6] =	sst s10  }
0x32: {  	s10 =	sld [smem:$0x3FB4];
	_ =	sdelay $0x3  }
0x33: {  	p0 =	seq.s32 s10, $0x1;
	s10 =	sld [smem:$0x3FB6];
	_ =	sdelay $0x3  }
0x34: {  	[smem:$0x3FB6] =	sst s10  }
0x35: {  	s10 =	sld [smem:$0x3FB5];
	_ =	sdelay $0x3  }
0x36: {  	p1 =	seq.s32 s10, $0x1;
	s10 =	sld [smem:$0x3FB6];
	_ =	sdelay $0x3  }
0x37: {  	[smem:$0x3FB6] =	sst s10  }
0x38: {  	s10 =	sld [smem:$0x3FB7]  }
0x39: {  	_ = 	snop;
	(pc) =	sbr.ind lr, $3  }
0x3a: {  	_ = 	snop  }
0x3b: {  	_ = 	snop  }
0x3c: {  	p2 =	seq.s32 s10, $0x1;
	s10 =	sld [smem:$0x3FB6]  }
0x3d: {  	_ =	shalt  }
0x3e: {  	_ =	shalt  }
0x3f: {  	_ =	shalt  }
0x40: {  	_ =	shalt  }
0x41: {  	_ =	shalt  }
0x42: {  	_ =	shalt  }
0x43: {  	_ =	shalt  }
0x44: {  	_ =	shalt  }
0x45: {  	_ =	shalt  }
0x46: {  	_ =	shalt  }
0x47: {  	_ =	shalt  }
0x48: {  	_ =	shalt  }
0x49: {  	_ =	shalt  }
0x4a: {  	_ =	shalt  }
0x4b: {  	_ =	shalt  }
0x4c: {  	_ =	shalt  }
0x4d: {  	_ =	shalt  }
0x4e: {  	_ =	shalt  }
0x4f: {  	_ =	shalt  }
0x50: {  	_ =	shalt  }
0x51: {  	_ =	shalt  }
0x52: {  	_ =	shalt  }
0x53: {  	_ =	shalt  }
0x54: {  	_ =	shalt  }
0x55: {  	_ =	shalt  }
0x56: {  	_ =	shalt  }
0x57: {  	_ =	shalt  }
0x58: {  	_ =	shalt  }
0x59: {  	_ =	shalt  }
0x5a: {  	_ =	shalt  }
0x5b: {  	_ =	shalt  }
0x5c: {  	_ =	shalt  }
0x5d: {  	_ =	shalt  }
0x5e: {  	_ =	shalt  }
0x5f: {  	_ =	shalt  }
0x60: {  	_ =	shalt  }
0x61: {  	_ =	shalt  }
0x62: {  	_ =	shalt  }
0x63: {  	_ =	shalt  }
0x64: {  	_ =	shalt  }
0x65: {  	_ =	shalt  }
0x66: {  	_ =	shalt  }
0x67: {  	_ =	shalt  }
0x68: {  	_ =	shalt  }
0x69: {  	_ =	shalt  }
0x6a: {  	_ =	shalt  }
0x6b: {  	_ =	shalt  }
0x6c: {  	_ =	shalt  }
0x6d: {  	_ =	shalt  }
0x6e: {  	_ =	shalt  }
0x6f: {  	_ =	shalt  }
0x70: {  	_ =	shalt  }
0x71: {  	_ =	shalt  }
0x72: {  	_ =	shalt  }
0x73: {  	_ =	shalt  }
0x74: {  	_ =	shalt  }
0x75: {  	_ =	shalt  }
0x76: {  	_ =	shalt  }
0x77: {  	_ =	shalt  }
0x78: {  	_ =	shalt  }
0x79: {  	_ =	shalt  }
0x7a: {  	_ =	shalt  }
0x7b: {  	_ =	shalt  }
0x7c: {  	_ =	shalt  }
0x7d: {  	_ =	shalt  }
0x7e: {  	_ =	shalt  }
0x7f: {  	_ =	shalt  }
0x80: {  	_ =	shalt  }
0x81: {  	_ =	shalt  }
0x82: {  	_ =	shalt  }
0x83: {  	_ =	shalt  }
0x84: {  	_ =	shalt  }
0x85: {  	_ =	shalt  }
0x86: {  	_ =	shalt  }
0x87: {  	_ =	shalt  }
.Lfunc_end0:
.L_simem_size_0:
called_computation_lowered:
.L_overlay_start_0:
0x88: {  	s2 =	sld [smem:$0x3FD9]  }
0x89: {  	s3 =	sld [smem:$0x3FFE];
	_ =	sdelay $0x1  }
0x8a: {  	s1 =	srdreg.scid  }
0x8b: {  	s0 =	sand.u32 $0x1, s1  }
0x8c: {  	s17 =	sshll.u32 s0, $0xA;
	s2 =	sadd.s32 s3, s2  }
0x8d: {  	s2 =	sadd.s32 s2, s17  }
0x8e: {  	[smem:$0x3FC2] =	sst s2  }
0x8f: {  	_ = 	snop  }
0x90: {  	s2 =	sld [smem:$0x3FD0];
	(tm) =	ssettm $0x1  }
0x91: {  	s18 =	sld [smem:$0x3FFB];
	_ =	sdelay $0x3  }
0x92: {  	_ =	strace s18  }
0x93: {  	s3 =	sld [smem:$0x3FFC];
	_ =	sdelay $0x3  }
0x94: {  	_ =	strace s3  }
0x95: {  	s3 =	sld [smem:$0x3FFD];
	_ =	sdelay $0x3  }
0x96: {  	_ =	strace s3  }
0x97: {  	_ =	strace $0x8FFFFFFF  }
0x98: {  	s19 =	sld [smem:$0x3FDB];
	_ =	sdelay $0x1  }
0x99: {  	s4 =	simm.s32 $_scs_section_size  }
0x9a: {  	s5 =	simm.s32 $_size__tile_overlayer_lowered;
	s6 =	simm.s32 $_tile_overlayer_lowered  }
0x9b: {  	s22 =	simm.s32 $0x1BFF;
	s21 =	sshll.u32 s6, $0x1;
	s3 =	sadd.s32 s4, s19  }
0x9c: {  	s7 =	simm.s32 $0x0;
	s20 =	sshll.u32 s5, $0x1;
	s5 =	sadd.s32 s21, s3  }
0x9d: {  	[timem:s7], [sflag:s22] =	dma.local [hbm:s5], s20  }
0x9e: {  	_ =	swait.ge [sflag:s22], s20  }
0x9f: {  	s4 =	ssub.s32 $0x0, s20;
	[sflag:s22] =	ssyncset.done $0x0  }
0xa0: {  	[sflag:s22] =	ssyncadd.s32 s4;
	_ =	sdelay $0x1  }
0xa1: {  	s23 =	simm.s32 $0x1B8B  }
0xa2: {  	_ =	swait.ge [sflag:s23], $0x1  }
0xa3: {  	[sflag:s23] =	ssyncset.done $0x0  }
0xa4: {  	s25 =	simm.s32 $0x1B8E;
	s24 =	sld [smem:$0x3FFE];
	[sflag:s23] =	ssyncadd.s32 $0xFFFFFFFF  }
0xa5: {  	s26 =	simm.s32 $execute0_lowered;
	[smem:$0x3FD2] =	sst s25  }
0xa6: {  	s5 =	sshll.u32 s26, $0x1;
	_ =	strace $0x80000046;
	[dreg:$0x1] =	wrdreg $0xFFFFFFFF  }
0xa7: {  	s28 =	simm.s32 $_size_execute0_lowered;
	s3 =	sadd.s32 s3, s5;
	[dreg:$0x0] =	wrdreg $0x0  }
0xa8: {  	s5 =	sshll.u32 s28, $0x1;
	[dreg:$0x2] =	wrdreg s3  }
0xa9: {  	[dreg:$0x3] =	wrdreg s5  }
0xaa: {  	[dreg:$0x4] =	wrdreg $0xC0  }
0xab: {  	_ =	task [dreg:s7], $0x5FFFF  }
0xac: {  	[dreg:$0x1] =	wrdreg $0xFFFFFFFF  }
0xad: {  	[dreg:$0x0] =	wrdreg $0x60  }
0xae: {  	[dreg:$0x2] =	wrdreg s2  }
0xaf: {  	[dreg:$0x3] =	wrdreg s24  }
0xb0: {  	[dreg:$0x4] =	wrdreg $0x28000  }
0xb1: {  	[dreg:$0x5] =	wrdreg $0x9  }
0xb2: {  	_ =	task.clear_ibuf [dreg:s7], $0x6FFFF;
	_ =	strace $0x90000046  }
0xb3: {  	s29 =	simm.s32 $0x9;
	_ =	strace $0x80000048  }
0xb4: {  	_ =	swait.ge [sflag:s29], $0x1  }
0xb5: {  	[sflag:s29] =	ssyncadd.s32 $0xFFFFFFFF  }
0xb6: {  	_ =	strace $0x90000048  }
0xb7: {  	_ =	sfence  }
0xb8: {  	s30 =	sld [smem:$0x0];
	_ =	sdelay $0x2  }
0xb9: {  	s31 =	sshll.u32 s1, $0xD;
	s1 =	sshrl.u32 s1, $0x2  }
0xba: {  	s3 =	sand.u32 $0x4000, s31;
	s1 =	sadd.s32 s1, s30  }
0xbb: {  	s0 =	sor.u32 s3, s0;
	s1 =	sshll.u32 s1, $0x11  }
0xbc: {  	s0 =	sor.u32 s1, s0  }
0xbd: {  	s0 =	sadd.s32 $0x8F2B, s0  }
0xbe: {  	[sflag:s0] =	ssyncadd.remote.s32 $0x1  }
0xbf: {  	_ =	sfence.sel $0xFFFF  }
0xc0: {  	[dreg:$0x0] =	wrdreg $0xFFFFFFFF;
	(pc) =	sbr.abs _section_cstart, $3  }
0xc1: {  	[dreg:$0x1] =	wrdreg $0xFFFFFFFF  }
0xc2: {  	_ =	task.clear_ibuf [dreg:s7], $0x2FFFF;
	_ =	strace $0x9FFFFFFF  }
0xc3: {  	(tm) =	ssettm $0x7FFFFFFF  }
tec
execute0_lowered:
.L_overlay_start_1:
0x0: {  	(tag) =	ssettag $0x1  }
0x1: {  	s2 =	rddreg [dreg:$0x0]  }
0x2: {  	s6 =	rddreg [dreg:$0x1]  }
0x3: {  	s3 =	rddreg [dreg:$0x2]  }
0x4: {  	s0 =	rddreg [dreg:$0x3];
	s1 =	stileid.u32  }
0x5: {  	s5 =	srdreg.scid;
	s4 =	simm.s32 $0x0;
	s14 =	simm.s32 $0x3  }
0x6: {  	s17 =	simm.s32 $0x400;
	s18 =	simm.s32 $0x1;
	s19 =	simm.s32 $0x2  }
0x7: {  	s20 =	simm.s32 $0x0;
	s7 =	smul.u32 $0x18800, s1;
	s8 =	sand.u32 $0x1, s5  }
0x8: {  	[smem:$0x7FF] =	sst s4;
	s5 =	sadd.s32 $0x128000, s6;
	s15 =	sshll.u32 s1, $0x6  }
0x9: {  	s9 =	smul.u32 $0x188000, s8;
	_ =	strace $0x80000047;
	s10 =	sshll.u32 s8, $0x4  }
0xa: {  	s8 =	ssub.s32 $0x2, s8;
	s15 =	sor.u32 $0x1C03, s15;
	s11 =	sshrl.u32 s7, $0x3  }
0xb: {  	s25 =	sor.u32 s1, s10;
	s28 =	sshrl.u32 s8, $0x1;
	s16 =	sadd.s32 s7, s3  }
0xc: {  	s12 =	sadd.s32 s7, s9;
	s9 =	smul.u32 $0x18800, s25;
	s11 =	sadd.s32 s11, s6  }
0xd: {  	s13 =	ssub.s32 s8, s28;
	s16 =	sshrl.u32 s16, $0x3;
	s26 =	sshrl.u32 s12, $0x3  }
0xe: {  	s30 =	sor.u32 $0x400, s12;
	s10 =	sadd.s32 s26, s6;
	s29 =	sshrl.u32 s9, $0x3  }
0xf: {  	s6 =	sadd.s32 $0x18A000, s11;
	s9 =	smax.u32 s13, $0x1;
	s31 =	sshrl.u32 s30, $0x3  }
0x10: {  	s11 =	sadd.s32 $0x800, s12;
	s13 =	simm.s32 $0x800;
	s7 =	sadd.s32 s5, s29  }
0x11: {  	s8 =	sadd.s32 $0x1BB000, s10;
	s12 =	sadd.s32 s31, s5;
	s10 =	sadd.s32 $0x3080, s7  }
.LBB2_1:
0x12: {  	[tilespmem:s13], [sflag:$0x3] =	stream.linear.gather [hbm4b:s2+s4], $0x2000, $0x38;
	[tilespmem:$0x1B000] =	vst v63  }
0x13: {  	_ =	swait.ge [sflag:s14], $0x2000  }
0x14: {  	[sflag:s14] =	ssyncset.done $0x0  }
0x15: {  	[sflag:s14] =	ssyncadd.s32 $0xFFFFE000  }
0x16: {  	[spmem:s16], [sflag:s15] =	dma.local [hbm:s6], $0x3100  }
0x17: {  	_ =	swait.ge [sflag:s14], $0x3100  }
0x18: {  	[sflag:s14] =	ssyncset.done $0x0  }
0x19: {  	[sflag:s14] =	ssyncadd.s32 $0xFFFFCF00  }
0x1a: {  	[bflag:$0x0] =	sbarrier.arrive $0xFFFF  }
0x1b: {  	[tilespmem:s4], [sflag:$0x3] =	stream.linear.gather [hbm4b:s7+s4], $0x400, $0x38;
	[tilespmem:$0x1B000] =	vst v63  }
0x1c: {  	_ =	swait.ge [sflag:s14], $0x400  }
0x1d: {  	[sflag:s14] =	ssyncset.done $0x0  }
0x1e: {  	s21 =	sadd.s32 $0x0, s12;
	[sflag:s14] =	ssyncadd.s32 $0xFFFFFC00  }
0x1f: {  	[tilespmem:s17], [sflag:$0x3] =	stream.linear.gather [hbm4b:s21+s4], $0x400, $0x38;
	[tilespmem:$0x1B000] =	vst v63  }
0x20: {  	_ =	swait.ge [sflag:s14], $0x400  }
0x21: {  	[sflag:s14] =	ssyncset.done $0x0  }
0x22: {  	[sflag:s14] =	ssyncadd.s32 $0xFFFFFC00  }
0x23: {  	[spmem:s3] =	stream.indirect.scatter.add.f32 [tilespmem:s13], [sflag:$0x1], $0x8, s4, s17, $0xb8;
	[tilespmem:$0x1B000] =	vst v63  }
0x24: {  	_ =	swait.ge [sflag:s18], $0x2000  }
0x25: {  	s31 =	sshrl.u32 s11, $0x3;
	[sflag:s18] =	ssyncset.done $0x0  }
0x26: {  	s21 =	sadd.s32 s5, s31;
	[sflag:s18] =	ssyncadd.s32 $0xFFFFE000  }
0x27: {  	[tilespmem:s4], [sflag:$0x3] =	stream.linear.gather [hbm4b:s21+s4], $0x400, $0x38;
	[tilespmem:$0x1B000] =	vst v63  }
0x28: {  	_ =	swait.ge [sflag:s14], $0x400  }
0x29: {  	[sflag:s14] =	ssyncset.done $0x0  }
0x2a: {  	[sflag:s14] =	ssyncadd.s32 $0xFFFFFC00  }
0x2b: {  	[spmem:s3] =	stream.indirect.scatter.add.f32 [tilespmem:s13], [sflag:$0x2], $0x8, s17, s17, $0xb8;
	[tilespmem:$0x1B000] =	vst v63  }
0x2c: {  	s22 =	simm.s32 $0x100;
	_ =	swait.ge [sflag:s19], $0x2000  }
0x2d: {  	s23 =	simm.s32 $0x200;
	s21 =	sadd.s32 $0x800, s11;
	[sflag:s19] =	ssyncset.done $0x0  }
.LBB2_2:
0x2e: {  	s24 =	sadd.s32 s22, s12  }
0x2f: {  	[sflag:s19] =	ssyncadd.s32 $0xFFFFE000;
	s22 =	smov.u32 s23;
	s25 =	sadd.s32 $0x100, s23  }
0x30: {  	[tilespmem:s17], [sflag:$0x3] =	stream.linear.gather [hbm4b:s24+s4], $0x400, $0x38;
	[tilespmem:$0x1B000] =	vst v63  }
0x31: {  	p0 =	sne.s32 s23, $0x2F00;
	_ =	swait.ge [sflag:s14], $0x400  }
0x32: {  	[sflag:s14] =	ssyncset.done $0x0  }
0x33: {  	[sflag:s14] =	ssyncadd.s32 $0xFFFFFC00  }
0x34: {  	[spmem:s3] =	stream.indirect.scatter.add.f32 [tilespmem:s13], [sflag:$0x1], $0x8, s4, s17, $0xb8;
	[tilespmem:$0x1B000] =	vst v63  }
0x35: {  	_ =	swait.ge [sflag:s18], $0x2000  }
0x36: {  	s23 =	sshrl.u32 s21, $0x3;
	[sflag:s18] =	ssyncset.done $0x0  }
0x37: {  	s23 =	sadd.s32 s5, s23;
	[sflag:s18] =	ssyncadd.s32 $0xFFFFE000  }
0x38: {  	[tilespmem:s4], [sflag:$0x3] =	stream.linear.gather [hbm4b:s23+s4], $0x400, $0x38;
	[tilespmem:$0x1B000] =	vst v63  }
0x39: {  	_ =	swait.ge [sflag:s14], $0x400  }
.Ltmp0:
0x3a: {  	[sflag:s14] =	ssyncset.done $0x0;
	(pc) =	sbr.rel @p0 .LBB2_2-.Ltmp0, $4  }
0x3b: {  	[sflag:s14] =	ssyncadd.s32 $0xFFFFFC00  }
0x3c: {  	[spmem:s3] =	stream.indirect.scatter.add.f32 [tilespmem:s13], [sflag:$0x2], $0x8, s17, s17, $0xb8;
	[tilespmem:$0x1B000] =	vst v63  }
0x3d: {  	_ =	swait.ge [sflag:s19], $0x2000  }
0x3e: {  	s21 =	sadd.s32 $0x800, s21;
	s23 =	smov.u32 s25;
	[sflag:s19] =	ssyncset.done $0x0  }
0x3f: {  	s22 =	sadd.s32 s22, s12;
	[sflag:s19] =	ssyncadd.s32 $0xFFFFE000  }
0x40: {  	[tilespmem:s17], [sflag:$0x3] =	stream.linear.gather [hbm4b:s22+s4], $0x400, $0x38;
	[tilespmem:$0x1B000] =	vst v63  }
0x41: {  	_ =	swait.ge [sflag:s14], $0x400  }
0x42: {  	[sflag:s14] =	ssyncset.done $0x0  }
0x43: {  	[sflag:s14] =	ssyncadd.s32 $0xFFFFFC00  }
0x44: {  	[spmem:s3] =	stream.indirect.scatter.add.f32 [tilespmem:s13], [sflag:$0x1], $0x8, s4, s17, $0xb8;
	[tilespmem:$0x1B000] =	vst v63  }
0x45: {  	_ =	swait.ge [sflag:s18], $0x2000  }
0x46: {  	s21 =	sshrl.u32 s21, $0x3;
	[sflag:s18] =	ssyncset.done $0x0  }
0x47: {  	s21 =	sadd.s32 s5, s21;
	[sflag:s18] =	ssyncadd.s32 $0xFFFFE000  }
0x48: {  	[tilespmem:s4], [sflag:$0x3] =	stream.linear.gather [hbm4b:s21+s4], $0x400, $0x38;
	[tilespmem:$0x1B000] =	vst v63  }
0x49: {  	_ =	swait.ge [sflag:s14], $0x400  }
0x4a: {  	[sflag:s14] =	ssyncset.done $0x0  }
0x4b: {  	[sflag:s14] =	ssyncadd.s32 $0xFFFFFC00  }
0x4c: {  	[spmem:s3] =	stream.indirect.scatter.add.f32 [tilespmem:s13], [sflag:$0x2], $0x8, s17, s17, $0xb8;
	[tilespmem:$0x1B000] =	vst v63  }
0x4d: {  	_ =	swait.ge [sflag:s19], $0x2000  }
0x4e: {  	[sflag:s19] =	ssyncset.done $0x0  }
0x4f: {  	[sflag:s19] =	ssyncadd.s32 $0xFFFFE000  }
0x50: {  	[tilespmem:s17], [sflag:$0x3] =	stream.linear.gather [hbm4b:s10+s4], $0x400, $0x38;
	[tilespmem:$0x1B000] =	vst v63  }
0x51: {  	_ =	swait.ge [sflag:s14], $0x400  }
0x52: {  	[sflag:s14] =	ssyncset.done $0x0  }
0x53: {  	[sflag:s14] =	ssyncadd.s32 $0xFFFFFC00  }
0x54: {  	[spmem:s3] =	stream.indirect.scatter.add.f32 [tilespmem:s13], [sflag:$0x1], $0x8, s4, s17, $0xb8;
	[tilespmem:$0x1B000] =	vst v63  }
0x55: {  	_ =	swait.ge [sflag:s18], $0x2000  }
0x56: {  	[sflag:s18] =	ssyncset.done $0x0  }
0x57: {  	[sflag:s18] =	ssyncadd.s32 $0xFFFFE000  }
0x58: {  	[spmem:s3] =	stream.indirect.scatter.add.f32 [tilespmem:s13], [sflag:$0x2], $0x8, s17, s17, $0xb8;
	[tilespmem:$0x1B000] =	vst v63  }
0x59: {  	_ =	swait.ge [sflag:s19], $0x2000  }
0x5a: {  	s20 =	sadd.s32 $0x1, s20;
	[sflag:s19] =	ssyncset.done $0x0  }
0x5b: {  	p0 =	sne.s32 s20, s9;
	[sflag:s19] =	ssyncadd.s32 $0xFFFFE000  }
.Ltmp1:
0x5c: {  	[bflag:$0x0] =	sbarrier.arrive $0xFFFF;
	(pc) =	sbr.rel @p0 .LBB2_1-.Ltmp1, $4  }
0x5d: {  	[hbm:s8], [sflag:s15] =	dma.local [spmem:s16], $0x3100  }
0x5e: {  	_ =	swait.ge [sflag:s14], $0x3100  }
0x5f: {  	[sflag:s14] =	ssyncset.done $0x0  }
0x60: {  	[sflag:s14] =	ssyncadd.s32 $0xFFFFCF00  }
0x61: {  	_ =	sfence.sel $0x180000  }
0x62: {  	[bflag:$0x0] =	sbarrier.arrive $0xFFFF  }
0x63: {  	p0 =	sne.s32 s1, $0x0;
	_ =	strace $0x90000047  }
0x64: {  	s0 =	sadd.s32 @!p0 $0x100000, s0;
	[bflag:$0x2] =	sbarrier.arrive $0xFFFF  }
0x65: {  	[sflag:s0] =	ssyncadd.tile.s32 @!p0 $0x1;
	_ =	shalt  }
.Lfunc_end2:
_tile_overlayer_lowered:
.L_overlay_start_2:
0x66: {  	(tag) =	ssettag $0x2  }
0x67: {  	s0 =	rddreg [dreg:$0x0];
	s2 =	stileid.u32  }
0x68: {  	s1 =	rddreg [dreg:$0x1];
	p0 =	sne.s32 s2, $0x0  }
0x69: {  	s3 =	rddreg [dreg:$0x2];
	[bflag:$0x3] =	sbarrier.arrive $0xFFFF;
	s2 =	simm.s32 @!p0 $0x1C03  }
0x6a: {  	[timem:s3], [sflag:s2] =	dma.local @!p0 [hbm:s0], s1  }
0x6b: {  	s0 =	simm.s32 @!p0 $0x3  }
0x6c: {  	_ =	swait.ge @!p0 [sflag:s0], s1  }
0x6d: {  	s1 =	ssub.s32 @!p0 $0x0, s1;
	[sflag:s0] =	ssyncset.done @!p0 $0x0  }
0x6e: {  	[sflag:s0] =	ssyncadd.s32 @!p0 s1  }
0x6f: {  	[bflag:$0x3] =	sbarrier.arrive $0xFFFF  }
0x70: {  	_ =	shalt  }

</sc_bundles>
